<compile_context>
chip_gen: v7x
topology: tpu7x:2x2x1
jax: 0.10.2.dev20260603
libtpu: 0.0.44.dev20260713+nightly
codegen_flags: <defaults>
</compile_context>

<pallas_src>
import functools

import jax
import jax.numpy as jnp
from jax import lax
from jax.experimental import pallas as pl
from jax.experimental.pallas import tpu as pltpu
from jax.experimental.pallas import tpu_sc as plsc

B = 32
N_SNPS = 50000
N_GENES = 5000
N_NODES = 160000
N_FILT = 8
EPS = 1e-5
ROW = 128

NC = 2
NS = 16
NW = NC * NS

CHUNK = 128
N_CHUNKS = N_NODES // CHUNK
CHUNKS_PER_TILE = -(-N_CHUNKS // NW)
DEPTH = 4
GROUPS = CHUNKS_PER_TILE // DEPTH
SEG_PAD = 5120
ZROWS = SEG_PAD // NS


def _prep_body(snp_ref, filt_ref, table_ref):
    fmean = jnp.sum(filt_ref[...], axis=1) * (1.0 / N_FILT)
    s_t = jnp.transpose(snp_ref[...])
    blk = s_t.shape[0]
    table_ref[...] = jnp.concatenate(
        [s_t * fmean[:, None], jnp.zeros((blk, ROW - B), jnp.float32)],
        axis=1)


_PREP_BLK = 2048
_PREP_GRID = -(-N_SNPS // _PREP_BLK)


def _build_table(snp, filters):
    return pl.pallas_call(
        _prep_body,
        grid=(_PREP_GRID,),
        in_specs=[
            pl.BlockSpec((B, _PREP_BLK), lambda i: (0, i)),
            pl.BlockSpec((_PREP_BLK, N_FILT), lambda i: (i, 0)),
        ],
        out_specs=pl.BlockSpec((_PREP_BLK, ROW), lambda i: (i, 0)),
        out_shape=jax.ShapeDtypeStruct((N_SNPS, ROW), jnp.float32),
    )(snp, filters)


def _bag_body(ids_hbm, segs_hbm, table_hbm, out_hbm,
              idx0, idx1, idx2, idx3, seg0, seg1, seg2, seg3,
              rows, zbuf, acc, sem0, sem1, sem2, sem3):
    c = lax.axis_index("c")
    s = lax.axis_index("s")
    wid = s * NC + c
    idxs = (idx0, idx1, idx2, idx3)
    segs = (seg0, seg1, seg2, seg3)
    sems = (sem0, sem1, sem2, sem3)

    def _zero_row(r, carry):
        zero16 = jnp.zeros((16,), jnp.float32)
        for q in range(ROW // 16):
            zbuf[r, pl.ds(q * 16, 16)] = zero16
        return carry

    lax.fori_loop(0, ZROWS // DEPTH, _zero_row, 0)
    for d in range(DEPTH):
        pltpu.sync_copy(zbuf,
                        acc.at[pl.ds(s * ZROWS + d * (ZROWS // DEPTH),
                                     ZROWS // DEPTH)])
    plsc.subcore_barrier()

    def _fire(k, cidx):
        off = cidx * CHUNK
        pltpu.sync_copy(ids_hbm.at[pl.ds(off, CHUNK)], idxs[k])
        pltpu.sync_copy(segs_hbm.at[pl.ds(off, CHUNK)], segs[k])
        pltpu.async_copy(table_hbm.at[idxs[k]], rows.at[k], sems[k])

    for k in range(DEPTH):
        _fire(k, k * NW + wid)

    def _group(g, carry):
        for k in range(DEPTH):
            cidx = (g * DEPTH + k) * NW + wid

            @pl.when(cidx < N_CHUNKS)
            def _(k=k, cidx=cidx):
                pltpu.make_async_copy(table_hbm.at[idxs[k]], rows.at[k],
                                      sems[k]).wait()
                pltpu.sync_copy(rows.at[k], acc.at[segs[k]], add=True)

            cnext = ((g + 1) * DEPTH + k) * NW + wid

            @pl.when(cnext < N_CHUNKS)
            def _(k=k, cnext=cnext):
                _fire(k, cnext)

        return carry

    lax.fori_loop(0, GROUPS, _group, 0)
    plsc.subcore_barrier()

    pltpu.sync_copy(acc.at[pl.ds(s * ZROWS, ZROWS)],
                    out_hbm.at[c, pl.ds(s * ZROWS, ZROWS)])


def _segment_bag(snp_ids, seg_ids, table):
    mesh = plsc.VectorSubcoreMesh(core_axis_name="c", subcore_axis_name="s")
    kern = functools.partial(
        pl.kernel,
        mesh=mesh,
        out_type=jax.ShapeDtypeStruct((NC, SEG_PAD, ROW), jnp.float32),
        scratch_types=(
            [pltpu.VMEM((CHUNK,), jnp.int32) for _ in range(8)]
            + [
                pltpu.VMEM((DEPTH, CHUNK, ROW), jnp.float32),
                pltpu.VMEM((ZROWS // DEPTH, ROW), jnp.float32),
                pltpu.VMEM_SHARED((SEG_PAD, ROW), jnp.float32),
            ]
            + [pltpu.SemaphoreType.DMA for _ in range(4)]
        ),
    )(_bag_body)
    return kern(snp_ids, seg_ids, table)


def _head_body(p2_ref, W1_ref, b1_ref, g1_ref, be1_ref,
               W2_ref, b2_ref, g2_ref, be2_ref, Wp_ref, bp_ref, out_ref):
    acc = (p2_ref[0] + p2_ref[1])[:N_GENES, :B]
    inv = 1.0 / (1.0 + EPS) ** 0.5
    x = lax.dot_general(acc, W1_ref[...], (((0,), (0,)), ((), ())),
                        preferred_element_type=jnp.float32)
    x = x + b1_ref[...]
    x = x * (inv * g1_ref[...]) + be1_ref[...]
    x = jnp.maximum(x, 0.0)
    x = jnp.dot(x, W2_ref[...], preferred_element_type=jnp.float32)
    x = x + b2_ref[...]
    x = x * (inv * g2_ref[...]) + be2_ref[...]
    x = jnp.maximum(x, 0.0)
    x = jnp.dot(x, Wp_ref[...], preferred_element_type=jnp.float32)
    out_ref[...] = x + bp_ref[...]


def _head(p2, W1, b1, g1, be1, W2, b2, g2, be2, Wp, bp):
    vecs = [v.reshape(1, -1) for v in (b1, g1, be1, b2, g2, be2, bp)]
    return pl.pallas_call(
        _head_body,
        out_shape=jax.ShapeDtypeStruct((B, 1), jnp.float32),
    )(p2, W1, vecs[0], vecs[1], vecs[2], W2, vecs[3], vecs[4], vecs[5],
      Wp, vecs[6])


def kernel(snp, snp_ids, seg_ids, filters, W1, b1, gamma1, beta1,
           W2, b2, gamma2, beta2, Wp, bp):
    table = _build_table(snp, filters)
    p2 = _segment_bag(snp_ids.astype(jnp.int32), seg_ids.astype(jnp.int32),
                      table)
    return _head(p2, W1, b1, gamma1, beta1, W2, b2, gamma2, beta2, Wp, bp)

# --- scband reference (transcript-rebuilt; emitter-appended) ---
"""Pipeline reference for scband-age-ugp-v1-18081812317001 (READ-ONLY COPY).

The authoritative reference and input builder live on the scoring server;
editing this copy changes nothing except your own understanding.
"""

import jax, jax.numpy as jnp
import numpy as np

B = 32
N_SNPS = 50000
N_GENES = 5000
D_HIDDEN = 64
N_FILT = 8
N_NODES = 160000
EPS = 1e-5


def setup_inputs(seed: int = 0) -> dict:
    key = jax.random.key(seed)
    ks = jax.random.split(key, 16)
    snp = jax.random.normal(ks[0], (B, N_SNPS), dtype=jnp.float32)
    snp_ids = jax.random.randint(ks[1], (N_NODES,), 0, N_SNPS)
    seg_ids = jnp.sort(jax.random.randint(ks[2], (N_NODES,), 0, N_GENES))
    # learned params
    filters = jax.random.normal(ks[3], (N_SNPS, N_FILT), dtype=jnp.float32) * 0.001
    W1 = jax.random.normal(ks[4], (N_GENES, D_HIDDEN), dtype=jnp.float32) * 0.02
    b1 = jnp.zeros((D_HIDDEN,), dtype=jnp.float32)
    gamma1 = 1.0 + jax.random.normal(ks[5], (D_HIDDEN,), dtype=jnp.float32) * 0.02
    beta1 = jnp.zeros((D_HIDDEN,), dtype=jnp.float32)
    W2 = jax.random.normal(ks[6], (D_HIDDEN, D_HIDDEN), dtype=jnp.float32) * 0.02
    b2 = jnp.zeros((D_HIDDEN,), dtype=jnp.float32)
    gamma2 = 1.0 + jax.random.normal(ks[7], (D_HIDDEN,), dtype=jnp.float32) * 0.02
    beta2 = jnp.zeros((D_HIDDEN,), dtype=jnp.float32)
    Wp = jax.random.normal(ks[8], (D_HIDDEN, 1), dtype=jnp.float32) * 0.02
    bp = jnp.zeros((1,), dtype=jnp.float32)
    return {"snp": snp, "snp_ids": snp_ids, "seg_ids": seg_ids,
            "filters": filters,
            "W1": W1, "b1": b1, "gamma1": gamma1, "beta1": beta1,
            "W2": W2, "b2": b2, "gamma2": gamma2, "beta2": beta2,
            "Wp": Wp, "bp": bp}


def reference(snp, snp_ids, seg_ids, filters, W1, b1, gamma1, beta1,
              W2, b2, gamma2, beta2, Wp, bp):
    # snp_h_list: einsum('bnd,n->bnd') per filter, concatenated on last dim
    # == elementwise broadcast: [B, n_snps, 1] * [n_snps, F]
    snp_h = snp[:, :, None] * filters[None, :, :]            # [B, n_snps, F]
    # per-sample: g.ndata['h'] = index_select(snp_h[i], 0, snp_ids)
    h = jnp.take(snp_h, snp_ids, axis=1)                     # [B, N_NODES, F]
    # dgl.readout_nodes(g, 'h', op='sum') over batched gene subgraphs == segment_sum
    pooled = jax.vmap(lambda hh: jax.ops.segment_sum(hh, seg_ids, num_segments=N_GENES))(h)  # [B, n_genes, F]
    sample_h = jnp.mean(pooled, axis=-1)                     # [B, n_genes]
    # feature_extractor in eval mode: dropout=identity, BN uses running stats (mean 0, var 1)
    x = sample_h @ W1 + b1
    x = x / jnp.sqrt(1.0 + EPS) * gamma1 + beta1
    x = jax.nn.relu(x)
    x = x @ W2 + b2
    x = x / jnp.sqrt(1.0 + EPS) * gamma2 + beta2
    x = jax.nn.relu(x)
    original_logits = x @ Wp + bp                            # [B, 1]
    return original_logits

if __name__ == "__main__":
    import jax
    _d = setup_inputs()
    print(jax.jit(kernel)(*tuple(_d.values())))

</pallas_src>

<mosaic_0001>
#map = affine_map<(d0, d1) -> (0)>
#map1 = affine_map<(d0, d1) -> (0, 0)>
#map2 = affine_map<(d0, d1) -> (0, 0, 0)>
module attributes {stable_mosaic.version = 14 : i64} {
  func.func @_bag_body(%arg0: i32, %arg1: i32, %arg2: memref<160000xi32, #tpu.memory_space<hbm>>, %arg3: memref<160000xi32, #tpu.memory_space<hbm>>, %arg4: memref<50000x128xf32, #tpu.memory_space<hbm>>, %arg5: memref<2x5120x128xf32, #tpu.memory_space<hbm>>, %arg6: memref<128xi32, #tpu.memory_space<vmem>>, %arg7: memref<128xi32, #tpu.memory_space<vmem>>, %arg8: memref<128xi32, #tpu.memory_space<vmem>>, %arg9: memref<128xi32, #tpu.memory_space<vmem>>, %arg10: memref<128xi32, #tpu.memory_space<vmem>>, %arg11: memref<128xi32, #tpu.memory_space<vmem>>, %arg12: memref<128xi32, #tpu.memory_space<vmem>>, %arg13: memref<128xi32, #tpu.memory_space<vmem>>, %arg14: memref<4x128x128xf32, #tpu.memory_space<vmem>>, %arg15: memref<80x128xf32, #tpu.memory_space<vmem>>, %arg16: memref<5120x128xf32, #tpu.memory_space<vmem_shared>>, %arg17: memref<!tpu.dma_semaphore, #tpu.memory_space<semaphore_mem>>, %arg18: memref<!tpu.dma_semaphore, #tpu.memory_space<semaphore_mem>>, %arg19: memref<!tpu.dma_semaphore, #tpu.memory_space<semaphore_mem>>, %arg20: memref<!tpu.dma_semaphore, #tpu.memory_space<semaphore_mem>>) attributes {dimension_semantics = [#tpu.dimension_semantics<core_parallel>, #tpu.dimension_semantics<subcore_parallel>], iteration_bounds = array<i64: 2, 16>, scalar_prefetch = 0 : i64, scratch_operands = 15 : i64, tpu.core_type = #tpu.core_type<sc_vector_subcore>, window_params = [{transform_indices = #map}, {transform_indices = #map}, {transform_indices = #map1}, {transform_indices = #map2}]} {
    %mul3A = arith.constant 2 : i32
    %mul3A_0 = arith.muli %arg1, %mul3A : i32
    %add3A = arith.addi %mul3A_0, %arg0 : i32
    %scan3A = arith.constant 0 : i32
    %scan3A_1 = arith.constant 0 : i32
    %scan3A_2 = arith.constant 80 : i32
    %scan3A_3 = arith.addi %scan3A_1, %scan3A_2 : i32
    %scan3A_4 = arith.constant 1 : i32
    scf.for %scan3A_80 = %scan3A_1 to %scan3A_3 step %scan3A_4  : i32 {
      %broadcast_in_dim3A = arith.constant 0.000000e+00 : f32
      %broadcast_in_dim3A_81 = vector.broadcast %broadcast_in_dim3A : f32 to vector<16xf32>
      %swap3A = arith.index_cast %scan3A_80 : i32 to index
      %swap3A_82 = arith.constant 0 : index
      %swap3A_83 = tpu.vector_load %arg15[%swap3A, %swap3A_82] {strides = array<i32>} : memref<80x128xf32, #tpu.memory_space<vmem>>, vector<1x16xf32>,
      %swap3A_84 = vector.shape_cast %swap3A_83 : vector<1x16xf32> to vector<16xf32>
      %swap3A_85 = vector.shape_cast %broadcast_in_dim3A_81 : vector<16xf32> to vector<1x16xf32>
      tpu.vector_store %arg15[%swap3A, %swap3A_82], %swap3A_85 {strides = array<i32>} : memref<80x128xf32, #tpu.memory_space<vmem>>, vector<1x16xf32>,
      %swap3A_86 = arith.index_cast %scan3A_80 : i32 to index
      %swap3A_87 = arith.constant 16 : index
      %swap3A_88 = tpu.vector_load %arg15[%swap3A_86, %swap3A_87] {strides = array<i32>} : memref<80x128xf32, #tpu.memory_space<vmem>>, vector<1x16xf32>,
      %swap3A_89 = vector.shape_cast %swap3A_88 : vector<1x16xf32> to vector<16xf32>
      %swap3A_90 = vector.shape_cast %broadcast_in_dim3A_81 : vector<16xf32> to vector<1x16xf32>
      tpu.vector_store %arg15[%swap3A_86, %swap3A_87], %swap3A_90 {strides = array<i32>} : memref<80x128xf32, #tpu.memory_space<vmem>>, vector<1x16xf32>,
      %swap3A_91 = arith.index_cast %scan3A_80 : i32 to index
      %swap3A_92 = arith.constant 32 : index
      %swap3A_93 = tpu.vector_load %arg15[%swap3A_91, %swap3A_92] {strides = array<i32>} : memref<80x128xf32, #tpu.memory_space<vmem>>, vector<1x16xf32>,
      %swap3A_94 = vector.shape_cast %swap3A_93 : vector<1x16xf32> to vector<16xf32>
      %swap3A_95 = vector.shape_cast %broadcast_in_dim3A_81 : vector<16xf32> to vector<1x16xf32>
      tpu.vector_store %arg15[%swap3A_91, %swap3A_92], %swap3A_95 {strides = array<i32>} : memref<80x128xf32, #tpu.memory_space<vmem>>, vector<1x16xf32>,
      %swap3A_96 = arith.index_cast %scan3A_80 : i32 to index
      %swap3A_97 = arith.constant 48 : index
      %swap3A_98 = tpu.vector_load %arg15[%swap3A_96, %swap3A_97] {strides = array<i32>} : memref<80x128xf32, #tpu.memory_space<vmem>>, vector<1x16xf32>,
      %swap3A_99 = vector.shape_cast %swap3A_98 : vector<1x16xf32> to vector<16xf32>
      %swap3A_100 = vector.shape_cast %broadcast_in_dim3A_81 : vector<16xf32> to vector<1x16xf32>
      tpu.vector_store %arg15[%swap3A_96, %swap3A_97], %swap3A_100 {strides = array<i32>} : memref<80x128xf32, #tpu.memory_space<vmem>>, vector<1x16xf32>,
      %swap3A_101 = arith.index_cast %scan3A_80 : i32 to index
      %swap3A_102 = arith.constant 64 : index
      %swap3A_103 = tpu.vector_load %arg15[%swap3A_101, %swap3A_102] {strides = array<i32>} : memref<80x128xf32, #tpu.memory_space<vmem>>, vector<1x16xf32>,
      %swap3A_104 = vector.shape_cast %swap3A_103 : vector<1x16xf32> to vector<16xf32>
      %swap3A_105 = vector.shape_cast %broadcast_in_dim3A_81 : vector<16xf32> to vector<1x16xf32>
      tpu.vector_store %arg15[%swap3A_101, %swap3A_102], %swap3A_105 {strides = array<i32>} : memref<80x128xf32, #tpu.memory_space<vmem>>, vector<1x16xf32>,
      %swap3A_106 = arith.index_cast %scan3A_80 : i32 to index
      %swap3A_107 = arith.constant 80 : index
      %swap3A_108 = tpu.vector_load %arg15[%swap3A_106, %swap3A_107] {strides = array<i32>} : memref<80x128xf32, #tpu.memory_space<vmem>>, vector<1x16xf32>,
      %swap3A_109 = vector.shape_cast %swap3A_108 : vector<1x16xf32> to vector<16xf32>
      %swap3A_110 = vector.shape_cast %broadcast_in_dim3A_81 : vector<16xf32> to vector<1x16xf32>
      tpu.vector_store %arg15[%swap3A_106, %swap3A_107], %swap3A_110 {strides = array<i32>} : memref<80x128xf32, #tpu.memory_space<vmem>>, vector<1x16xf32>,
      %swap3A_111 = arith.index_cast %scan3A_80 : i32 to index
      %swap3A_112 = arith.constant 96 : index
      %swap3A_113 = tpu.vector_load %arg15[%swap3A_111, %swap3A_112] {strides = array<i32>} : memref<80x128xf32, #tpu.memory_space<vmem>>, vector<1x16xf32>,
      %swap3A_114 = vector.shape_cast %swap3A_113 : vector<1x16xf32> to vector<16xf32>
      %swap3A_115 = vector.shape_cast %broadcast_in_dim3A_81 : vector<16xf32> to vector<1x16xf32>
      tpu.vector_store %arg15[%swap3A_111, %swap3A_112], %swap3A_115 {strides = array<i32>} : memref<80x128xf32, #tpu.memory_space<vmem>>, vector<1x16xf32>,
      %swap3A_116 = arith.index_cast %scan3A_80 : i32 to index
      %swap3A_117 = arith.constant 112 : index
      %swap3A_118 = tpu.vector_load %arg15[%swap3A_116, %swap3A_117] {strides = array<i32>} : memref<80x128xf32, #tpu.memory_space<vmem>>, vector<1x16xf32>,
      %swap3A_119 = vector.shape_cast %swap3A_118 : vector<1x16xf32> to vector<16xf32>
      %swap3A_120 = vector.shape_cast %broadcast_in_dim3A_81 : vector<16xf32> to vector<1x16xf32>
      tpu.vector_store %arg15[%swap3A_116, %swap3A_117], %swap3A_120 {strides = array<i32>} : memref<80x128xf32, #tpu.memory_space<vmem>>, vector<1x16xf32>,
    }
    %scan3A_5 = arith.constant 80 : i32
    %mul3A_6 = arith.constant 320 : i32
    %mul3A_7 = arith.muli %arg1, %mul3A_6 : i32
    %add3A_8 = arith.constant 0 : i32
    %add3A_9 = arith.addi %mul3A_7, %add3A_8 : i32
    "tpu.region"() ({
      %run_scoped3A = tpu.sem_alloc : memref<!tpu.dma_semaphore, #tpu.memory_space<semaphore_mem>>
      %dma_start3A_80 = arith.constant 0 : i32
      %dma_start3A_81 = tpu.memref_slice %arg16[%add3A_9, %dma_start3A_80] : memref<5120x128xf32, #tpu.memory_space<vmem_shared>> -> memref<80x128xf32, #tpu.memory_space<vmem_shared>>
      %dma_start3A_82 = arith.constant 0 : i32
      %dma_start3A_83 = tpu.memref_slice %arg16[%add3A_9, %dma_start3A_82] : memref<5120x128xf32, #tpu.memory_space<vmem_shared>> -> memref<80x128xf32, #tpu.memory_space<vmem_shared>>
      tpu.enqueue_dma source(%arg15 : memref<80x128xf32, #tpu.memory_space<vmem>>) target(%dma_start3A_83 : memref<80x128xf32, #tpu.memory_space<vmem_shared>>) target_semaphore(%run_scoped3A : memref<!tpu.dma_semaphore, #tpu.memory_space<semaphore_mem>>)
      %dma_wait3A = arith.constant 0 : i32
      %dma_wait3A_84 = tpu.memref_slice %arg16[%add3A_9, %dma_wait3A] : memref<5120x128xf32, #tpu.memory_space<vmem_shared>> -> memref<80x128xf32, #tpu.memory_space<vmem_shared>>
      %dma_wait3A_85 = arith.constant 0 : i32
      %dma_wait3A_86 = tpu.memref_slice %arg16[%add3A_9, %dma_wait3A_85] : memref<5120x128xf32, #tpu.memory_space<vmem_shared>> -> memref<80x128xf32, #tpu.memory_space<vmem_shared>>
      tpu.wait_dma2 semaphore(%run_scoped3A : memref<!tpu.dma_semaphore, #tpu.memory_space<semaphore_mem>>) src(%arg15 : memref<80x128xf32, #tpu.memory_space<vmem>>) dst(%dma_wait3A_86 : memref<80x128xf32, #tpu.memory_space<vmem_shared>>)
      tpu.yield
    }) : () -> ()
    %mul3A_10 = arith.constant 320 : i32
    %mul3A_11 = arith.muli %arg1, %mul3A_10 : i32
    %add3A_12 = arith.constant 80 : i32
    %add3A_13 = arith.addi %mul3A_11, %add3A_12 : i32
    "tpu.region"() ({
      %run_scoped3A = tpu.sem_alloc : memref<!tpu.dma_semaphore, #tpu.memory_space<semaphore_mem>>
      %dma_start3A_80 = arith.constant 0 : i32
      %dma_start3A_81 = tpu.memref_slice %arg16[%add3A_13, %dma_start3A_80] : memref<5120x128xf32, #tpu.memory_space<vmem_shared>> -> memref<80x128xf32, #tpu.memory_space<vmem_shared>>
      %dma_start3A_82 = arith.constant 0 : i32
      %dma_start3A_83 = tpu.memref_slice %arg16[%add3A_13, %dma_start3A_82] : memref<5120x128xf32, #tpu.memory_space<vmem_shared>> -> memref<80x128xf32, #tpu.memory_space<vmem_shared>>
      tpu.enqueue_dma source(%arg15 : memref<80x128xf32, #tpu.memory_space<vmem>>) target(%dma_start3A_83 : memref<80x128xf32, #tpu.memory_space<vmem_shared>>) target_semaphore(%run_scoped3A : memref<!tpu.dma_semaphore, #tpu.memory_space<semaphore_mem>>)
      %dma_wait3A = arith.constant 0 : i32
      %dma_wait3A_84 = tpu.memref_slice %arg16[%add3A_13, %dma_wait3A] : memref<5120x128xf32, #tpu.memory_space<vmem_shared>> -> memref<80x128xf32, #tpu.memory_space<vmem_shared>>
      %dma_wait3A_85 = arith.constant 0 : i32
      %dma_wait3A_86 = tpu.memref_slice %arg16[%add3A_13, %dma_wait3A_85] : memref<5120x128xf32, #tpu.memory_space<vmem_shared>> -> memref<80x128xf32, #tpu.memory_space<vmem_shared>>
      tpu.wait_dma2 semaphore(%run_scoped3A : memref<!tpu.dma_semaphore, #tpu.memory_space<semaphore_mem>>) src(%arg15 : memref<80x128xf32, #tpu.memory_space<vmem>>) dst(%dma_wait3A_86 : memref<80x128xf32, #tpu.memory_space<vmem_shared>>)
      tpu.yield
    }) : () -> ()
    %mul3A_14 = arith.constant 320 : i32
    %mul3A_15 = arith.muli %arg1, %mul3A_14 : i32
    %add3A_16 = arith.constant 160 : i32
    %add3A_17 = arith.addi %mul3A_15, %add3A_16 : i32
    "tpu.region"() ({
      %run_scoped3A = tpu.sem_alloc : memref<!tpu.dma_semaphore, #tpu.memory_space<semaphore_mem>>
      %dma_start3A_80 = arith.constant 0 : i32
      %dma_start3A_81 = tpu.memref_slice %arg16[%add3A_17, %dma_start3A_80] : memref<5120x128xf32, #tpu.memory_space<vmem_shared>> -> memref<80x128xf32, #tpu.memory_space<vmem_shared>>
      %dma_start3A_82 = arith.constant 0 : i32
      %dma_start3A_83 = tpu.memref_slice %arg16[%add3A_17, %dma_start3A_82] : memref<5120x128xf32, #tpu.memory_space<vmem_shared>> -> memref<80x128xf32, #tpu.memory_space<vmem_shared>>
      tpu.enqueue_dma source(%arg15 : memref<80x128xf32, #tpu.memory_space<vmem>>) target(%dma_start3A_83 : memref<80x128xf32, #tpu.memory_space<vmem_shared>>) target_semaphore(%run_scoped3A : memref<!tpu.dma_semaphore, #tpu.memory_space<semaphore_mem>>)
      %dma_wait3A = arith.constant 0 : i32
      %dma_wait3A_84 = tpu.memref_slice %arg16[%add3A_17, %dma_wait3A] : memref<5120x128xf32, #tpu.memory_space<vmem_shared>> -> memref<80x128xf32, #tpu.memory_space<vmem_shared>>
      %dma_wait3A_85 = arith.constant 0 : i32
      %dma_wait3A_86 = tpu.memref_slice %arg16[%add3A_17, %dma_wait3A_85] : memref<5120x128xf32, #tpu.memory_space<vmem_shared>> -> memref<80x128xf32, #tpu.memory_space<vmem_shared>>
      tpu.wait_dma2 semaphore(%run_scoped3A : memref<!tpu.dma_semaphore, #tpu.memory_space<semaphore_mem>>) src(%arg15 : memref<80x128xf32, #tpu.memory_space<vmem>>) dst(%dma_wait3A_86 : memref<80x128xf32, #tpu.memory_space<vmem_shared>>)
      tpu.yield
    }) : () -> ()
    %mul3A_18 = arith.constant 320 : i32
    %mul3A_19 = arith.muli %arg1, %mul3A_18 : i32
    %add3A_20 = arith.constant 240 : i32
    %add3A_21 = arith.addi %mul3A_19, %add3A_20 : i32
    "tpu.region"() ({
      %run_scoped3A = tpu.sem_alloc : memref<!tpu.dma_semaphore, #tpu.memory_space<semaphore_mem>>
      %dma_start3A_80 = arith.constant 0 : i32
      %dma_start3A_81 = tpu.memref_slice %arg16[%add3A_21, %dma_start3A_80] : memref<5120x128xf32, #tpu.memory_space<vmem_shared>> -> memref<80x128xf32, #tpu.memory_space<vmem_shared>>
      %dma_start3A_82 = arith.constant 0 : i32
      %dma_start3A_83 = tpu.memref_slice %arg16[%add3A_21, %dma_start3A_82] : memref<5120x128xf32, #tpu.memory_space<vmem_shared>> -> memref<80x128xf32, #tpu.memory_space<vmem_shared>>
      tpu.enqueue_dma source(%arg15 : memref<80x128xf32, #tpu.memory_space<vmem>>) target(%dma_start3A_83 : memref<80x128xf32, #tpu.memory_space<vmem_shared>>) target_semaphore(%run_scoped3A : memref<!tpu.dma_semaphore, #tpu.memory_space<semaphore_mem>>)
      %dma_wait3A = arith.constant 0 : i32
      %dma_wait3A_84 = tpu.memref_slice %arg16[%add3A_21, %dma_wait3A] : memref<5120x128xf32, #tpu.memory_space<vmem_shared>> -> memref<80x128xf32, #tpu.memory_space<vmem_shared>>
      %dma_wait3A_85 = arith.constant 0 : i32
      %dma_wait3A_86 = tpu.memref_slice %arg16[%add3A_21, %dma_wait3A_85] : memref<5120x128xf32, #tpu.memory_space<vmem_shared>> -> memref<80x128xf32, #tpu.memory_space<vmem_shared>>
      tpu.wait_dma2 semaphore(%run_scoped3A : memref<!tpu.dma_semaphore, #tpu.memory_space<semaphore_mem>>) src(%arg15 : memref<80x128xf32, #tpu.memory_space<vmem>>) dst(%dma_wait3A_86 : memref<80x128xf32, #tpu.memory_space<vmem_shared>>)
      tpu.yield
    }) : () -> ()
    %barrier3A = arith.constant 0 : index
    tpu.barrier barrier_id(%barrier3A)
    %add3A_22 = arith.constant 0 : i32
    %add3A_23 = arith.addi %add3A_22, %add3A : i32
    %mul3A_24 = arith.constant 128 : i32
    %mul3A_25 = arith.muli %add3A_23, %mul3A_24 : i32
    "tpu.region"() ({
      %run_scoped3A = tpu.sem_alloc : memref<!tpu.dma_semaphore, #tpu.memory_space<semaphore_mem>>
      %dma_start3A_80 = tpu.memref_slice %arg2[%mul3A_25] : memref<160000xi32, #tpu.memory_space<hbm>> -> memref<128xi32, #tpu.memory_space<hbm>>
      %dma_start3A_81 = tpu.memref_slice %arg2[%mul3A_25] : memref<160000xi32, #tpu.memory_space<hbm>> -> memref<128xi32, #tpu.memory_space<hbm>>
      tpu.enqueue_dma source(%dma_start3A_81 : memref<128xi32, #tpu.memory_space<hbm>>) target(%arg6 : memref<128xi32, #tpu.memory_space<vmem>>) target_semaphore(%run_scoped3A : memref<!tpu.dma_semaphore, #tpu.memory_space<semaphore_mem>>)
      %dma_wait3A = tpu.memref_slice %arg2[%mul3A_25] : memref<160000xi32, #tpu.memory_space<hbm>> -> memref<128xi32, #tpu.memory_space<hbm>>
      %dma_wait3A_82 = tpu.memref_slice %arg2[%mul3A_25] : memref<160000xi32, #tpu.memory_space<hbm>> -> memref<128xi32, #tpu.memory_space<hbm>>
      tpu.wait_dma2 semaphore(%run_scoped3A : memref<!tpu.dma_semaphore, #tpu.memory_space<semaphore_mem>>) src(%dma_wait3A_82 : memref<128xi32, #tpu.memory_space<hbm>>) dst(%arg6 : memref<128xi32, #tpu.memory_space<vmem>>)
      tpu.yield
    }) : () -> ()
    "tpu.region"() ({
      %run_scoped3A = tpu.sem_alloc : memref<!tpu.dma_semaphore, #tpu.memory_space<semaphore_mem>>
      %dma_start3A_80 = tpu.memref_slice %arg3[%mul3A_25] : memref<160000xi32, #tpu.memory_space<hbm>> -> memref<128xi32, #tpu.memory_space<hbm>>
      %dma_start3A_81 = tpu.memref_slice %arg3[%mul3A_25] : memref<160000xi32, #tpu.memory_space<hbm>> -> memref<128xi32, #tpu.memory_space<hbm>>
      tpu.enqueue_dma source(%dma_start3A_81 : memref<128xi32, #tpu.memory_space<hbm>>) target(%arg10 : memref<128xi32, #tpu.memory_space<vmem>>) target_semaphore(%run_scoped3A : memref<!tpu.dma_semaphore, #tpu.memory_space<semaphore_mem>>)
      %dma_wait3A = tpu.memref_slice %arg3[%mul3A_25] : memref<160000xi32, #tpu.memory_space<hbm>> -> memref<128xi32, #tpu.memory_space<hbm>>
      %dma_wait3A_82 = tpu.memref_slice %arg3[%mul3A_25] : memref<160000xi32, #tpu.memory_space<hbm>> -> memref<128xi32, #tpu.memory_space<hbm>>
      tpu.wait_dma2 semaphore(%run_scoped3A : memref<!tpu.dma_semaphore, #tpu.memory_space<semaphore_mem>>) src(%dma_wait3A_82 : memref<128xi32, #tpu.memory_space<hbm>>) dst(%arg10 : memref<128xi32, #tpu.memory_space<vmem>>)
      tpu.yield
    }) : () -> ()
    %dma_start3A = arith.constant 0 : i32
    %dma_start3A_26 = arith.constant 0 : i32
    %dma_start3A_27 = arith.constant 0 : i32
    %dma_start3A_28 = tpu.memref_slice %arg14[%dma_start3A, %dma_start3A_26, %dma_start3A_27] : memref<4x128x128xf32, #tpu.memory_space<vmem>> -> memref<1x128x128xf32, #tpu.memory_space<vmem>>
    %dma_start3A_29 = tpu.memref_squeeze %dma_start3A_28 : memref<1x128x128xf32, #tpu.memory_space<vmem>> -> memref<128x128xf32, #tpu.memory_space<vmem>>
    %dma_start3A_30 = arith.constant 0 : i32
    %dma_start3A_31 = arith.constant 0 : i32
    %dma_start3A_32 = tpu.memref_slice %arg4[%dma_start3A_30, %dma_start3A_31] : memref<50000x128xf32, #tpu.memory_space<hbm>> -> memref<50000x128xf32, #tpu.memory_space<hbm>>
    tpu.enqueue_indirect_dma source(%dma_start3A_32 : memref<50000x128xf32, #tpu.memory_space<hbm>>) target(%dma_start3A_29 : memref<128x128xf32, #tpu.memory_space<vmem>>) offsets(%arg6 : memref<128xi32, #tpu.memory_space<vmem>>) semaphore(%arg17 : memref<!tpu.dma_semaphore, #tpu.memory_space<semaphore_mem>>)
    %add3A_33 = arith.constant 32 : i32
    %add3A_34 = arith.addi %add3A_33, %add3A : i32
    %mul3A_35 = arith.constant 128 : i32
    %mul3A_36 = arith.muli %add3A_34, %mul3A_35 : i32
    "tpu.region"() ({
      %run_scoped3A = tpu.sem_alloc : memref<!tpu.dma_semaphore, #tpu.memory_space<semaphore_mem>>
      %dma_start3A_80 = tpu.memref_slice %arg2[%mul3A_36] : memref<160000xi32, #tpu.memory_space<hbm>> -> memref<128xi32, #tpu.memory_space<hbm>>
      %dma_start3A_81 = tpu.memref_slice %arg2[%mul3A_36] : memref<160000xi32, #tpu.memory_space<hbm>> -> memref<128xi32, #tpu.memory_space<hbm>>
      tpu.enqueue_dma source(%dma_start3A_81 : memref<128xi32, #tpu.memory_space<hbm>>) target(%arg7 : memref<128xi32, #tpu.memory_space<vmem>>) target_semaphore(%run_scoped3A : memref<!tpu.dma_semaphore, #tpu.memory_space<semaphore_mem>>)
      %dma_wait3A = tpu.memref_slice %arg2[%mul3A_36] : memref<160000xi32, #tpu.memory_space<hbm>> -> memref<128xi32, #tpu.memory_space<hbm>>
      %dma_wait3A_82 = tpu.memref_slice %arg2[%mul3A_36] : memref<160000xi32, #tpu.memory_space<hbm>> -> memref<128xi32, #tpu.memory_space<hbm>>
      tpu.wait_dma2 semaphore(%run_scoped3A : memref<!tpu.dma_semaphore, #tpu.memory_space<semaphore_mem>>) src(%dma_wait3A_82 : memref<128xi32, #tpu.memory_space<hbm>>) dst(%arg7 : memref<128xi32, #tpu.memory_space<vmem>>)
      tpu.yield
    }) : () -> ()
    "tpu.region"() ({
      %run_scoped3A = tpu.sem_alloc : memref<!tpu.dma_semaphore, #tpu.memory_space<semaphore_mem>>
      %dma_start3A_80 = tpu.memref_slice %arg3[%mul3A_36] : memref<160000xi32, #tpu.memory_space<hbm>> -> memref<128xi32, #tpu.memory_space<hbm>>
      %dma_start3A_81 = tpu.memref_slice %arg3[%mul3A_36] : memref<160000xi32, #tpu.memory_space<hbm>> -> memref<128xi32, #tpu.memory_space<hbm>>
      tpu.enqueue_dma source(%dma_start3A_81 : memref<128xi32, #tpu.memory_space<hbm>>) target(%arg11 : memref<128xi32, #tpu.memory_space<vmem>>) target_semaphore(%run_scoped3A : memref<!tpu.dma_semaphore, #tpu.memory_space<semaphore_mem>>)
      %dma_wait3A = tpu.memref_slice %arg3[%mul3A_36] : memref<160000xi32, #tpu.memory_space<hbm>> -> memref<128xi32, #tpu.memory_space<hbm>>
      %dma_wait3A_82 = tpu.memref_slice %arg3[%mul3A_36] : memref<160000xi32, #tpu.memory_space<hbm>> -> memref<128xi32, #tpu.memory_space<hbm>>
      tpu.wait_dma2 semaphore(%run_scoped3A : memref<!tpu.dma_semaphore, #tpu.memory_space<semaphore_mem>>) src(%dma_wait3A_82 : memref<128xi32, #tpu.memory_space<hbm>>) dst(%arg11 : memref<128xi32, #tpu.memory_space<vmem>>)
      tpu.yield
    }) : () -> ()
    %dma_start3A_37 = arith.constant 1 : i32
    %dma_start3A_38 = arith.constant 0 : i32
    %dma_start3A_39 = arith.constant 0 : i32
    %dma_start3A_40 = tpu.memref_slice %arg14[%dma_start3A_37, %dma_start3A_38, %dma_start3A_39] : memref<4x128x128xf32, #tpu.memory_space<vmem>> -> memref<1x128x128xf32, #tpu.memory_space<vmem>>
    %dma_start3A_41 = tpu.memref_squeeze %dma_start3A_40 : memref<1x128x128xf32, #tpu.memory_space<vmem>> -> memref<128x128xf32, #tpu.memory_space<vmem>>
    %dma_start3A_42 = arith.constant 0 : i32
    %dma_start3A_43 = arith.constant 0 : i32
    %dma_start3A_44 = tpu.memref_slice %arg4[%dma_start3A_42, %dma_start3A_43] : memref<50000x128xf32, #tpu.memory_space<hbm>> -> memref<50000x128xf32, #tpu.memory_space<hbm>>
    tpu.enqueue_indirect_dma source(%dma_start3A_44 : memref<50000x128xf32, #tpu.memory_space<hbm>>) target(%dma_start3A_41 : memref<128x128xf32, #tpu.memory_space<vmem>>) offsets(%arg7 : memref<128xi32, #tpu.memory_space<vmem>>) semaphore(%arg18 : memref<!tpu.dma_semaphore, #tpu.memory_space<semaphore_mem>>)
    %add3A_45 = arith.constant 64 : i32
    %add3A_46 = arith.addi %add3A_45, %add3A : i32
    %mul3A_47 = arith.constant 128 : i32
    %mul3A_48 = arith.muli %add3A_46, %mul3A_47 : i32
    "tpu.region"() ({
      %run_scoped3A = tpu.sem_alloc : memref<!tpu.dma_semaphore, #tpu.memory_space<semaphore_mem>>
      %dma_start3A_80 = tpu.memref_slice %arg2[%mul3A_48] : memref<160000xi32, #tpu.memory_space<hbm>> -> memref<128xi32, #tpu.memory_space<hbm>>
      %dma_start3A_81 = tpu.memref_slice %arg2[%mul3A_48] : memref<160000xi32, #tpu.memory_space<hbm>> -> memref<128xi32, #tpu.memory_space<hbm>>
      tpu.enqueue_dma source(%dma_start3A_81 : memref<128xi32, #tpu.memory_space<hbm>>) target(%arg8 : memref<128xi32, #tpu.memory_space<vmem>>) target_semaphore(%run_scoped3A : memref<!tpu.dma_semaphore, #tpu.memory_space<semaphore_mem>>)
      %dma_wait3A = tpu.memref_slice %arg2[%mul3A_48] : memref<160000xi32, #tpu.memory_space<hbm>> -> memref<128xi32, #tpu.memory_space<hbm>>
      %dma_wait3A_82 = tpu.memref_slice %arg2[%mul3A_48] : memref<160000xi32, #tpu.memory_space<hbm>> -> memref<128xi32, #tpu.memory_space<hbm>>
      tpu.wait_dma2 semaphore(%run_scoped3A : memref<!tpu.dma_semaphore, #tpu.memory_space<semaphore_mem>>) src(%dma_wait3A_82 : memref<128xi32, #tpu.memory_space<hbm>>) dst(%arg8 : memref<128xi32, #tpu.memory_space<vmem>>)
      tpu.yield
    }) : () -> ()
    "tpu.region"() ({
      %run_scoped3A = tpu.sem_alloc : memref<!tpu.dma_semaphore, #tpu.memory_space<semaphore_mem>>
      %dma_start3A_80 = tpu.memref_slice %arg3[%mul3A_48] : memref<160000xi32, #tpu.memory_space<hbm>> -> memref<128xi32, #tpu.memory_space<hbm>>
      %dma_start3A_81 = tpu.memref_slice %arg3[%mul3A_48] : memref<160000xi32, #tpu.memory_space<hbm>> -> memref<128xi32, #tpu.memory_space<hbm>>
      tpu.enqueue_dma source(%dma_start3A_81 : memref<128xi32, #tpu.memory_space<hbm>>) target(%arg12 : memref<128xi32, #tpu.memory_space<vmem>>) target_semaphore(%run_scoped3A : memref<!tpu.dma_semaphore, #tpu.memory_space<semaphore_mem>>)
      %dma_wait3A = tpu.memref_slice %arg3[%mul3A_48] : memref<160000xi32, #tpu.memory_space<hbm>> -> memref<128xi32, #tpu.memory_space<hbm>>
      %dma_wait3A_82 = tpu.memref_slice %arg3[%mul3A_48] : memref<160000xi32, #tpu.memory_space<hbm>> -> memref<128xi32, #tpu.memory_space<hbm>>
      tpu.wait_dma2 semaphore(%run_scoped3A : memref<!tpu.dma_semaphore, #tpu.memory_space<semaphore_mem>>) src(%dma_wait3A_82 : memref<128xi32, #tpu.memory_space<hbm>>) dst(%arg12 : memref<128xi32, #tpu.memory_space<vmem>>)
      tpu.yield
    }) : () -> ()
    %dma_start3A_49 = arith.constant 2 : i32
    %dma_start3A_50 = arith.constant 0 : i32
    %dma_start3A_51 = arith.constant 0 : i32
    %dma_start3A_52 = tpu.memref_slice %arg14[%dma_start3A_49, %dma_start3A_50, %dma_start3A_51] : memref<4x128x128xf32, #tpu.memory_space<vmem>> -> memref<1x128x128xf32, #tpu.memory_space<vmem>>
    %dma_start3A_53 = tpu.memref_squeeze %dma_start3A_52 : memref<1x128x128xf32, #tpu.memory_space<vmem>> -> memref<128x128xf32, #tpu.memory_space<vmem>>
    %dma_start3A_54 = arith.constant 0 : i32
    %dma_start3A_55 = arith.constant 0 : i32
    %dma_start3A_56 = tpu.memref_slice %arg4[%dma_start3A_54, %dma_start3A_55] : memref<50000x128xf32, #tpu.memory_space<hbm>> -> memref<50000x128xf32, #tpu.memory_space<hbm>>
    tpu.enqueue_indirect_dma source(%dma_start3A_56 : memref<50000x128xf32, #tpu.memory_space<hbm>>) target(%dma_start3A_53 : memref<128x128xf32, #tpu.memory_space<vmem>>) offsets(%arg8 : memref<128xi32, #tpu.memory_space<vmem>>) semaphore(%arg19 : memref<!tpu.dma_semaphore, #tpu.memory_space<semaphore_mem>>)
    %add3A_57 = arith.constant 96 : i32
    %add3A_58 = arith.addi %add3A_57, %add3A : i32
    %mul3A_59 = arith.constant 128 : i32
    %mul3A_60 = arith.muli %add3A_58, %mul3A_59 : i32
    "tpu.region"() ({
      %run_scoped3A = tpu.sem_alloc : memref<!tpu.dma_semaphore, #tpu.memory_space<semaphore_mem>>
      %dma_start3A_80 = tpu.memref_slice %arg2[%mul3A_60] : memref<160000xi32, #tpu.memory_space<hbm>> -> memref<128xi32, #tpu.memory_space<hbm>>
      %dma_start3A_81 = tpu.memref_slice %arg2[%mul3A_60] : memref<160000xi32, #tpu.memory_space<hbm>> -> memref<128xi32, #tpu.memory_space<hbm>>
      tpu.enqueue_dma source(%dma_start3A_81 : memref<128xi32, #tpu.memory_space<hbm>>) target(%arg9 : memref<128xi32, #tpu.memory_space<vmem>>) target_semaphore(%run_scoped3A : memref<!tpu.dma_semaphore, #tpu.memory_space<semaphore_mem>>)
      %dma_wait3A = tpu.memref_slice %arg2[%mul3A_60] : memref<160000xi32, #tpu.memory_space<hbm>> -> memref<128xi32, #tpu.memory_space<hbm>>
      %dma_wait3A_82 = tpu.memref_slice %arg2[%mul3A_60] : memref<160000xi32, #tpu.memory_space<hbm>> -> memref<128xi32, #tpu.memory_space<hbm>>
      tpu.wait_dma2 semaphore(%run_scoped3A : memref<!tpu.dma_semaphore, #tpu.memory_space<semaphore_mem>>) src(%dma_wait3A_82 : memref<128xi32, #tpu.memory_space<hbm>>) dst(%arg9 : memref<128xi32, #tpu.memory_space<vmem>>)
      tpu.yield
    }) : () -> ()
    "tpu.region"() ({
      %run_scoped3A = tpu.sem_alloc : memref<!tpu.dma_semaphore, #tpu.memory_space<semaphore_mem>>
      %dma_start3A_80 = tpu.memref_slice %arg3[%mul3A_60] : memref<160000xi32, #tpu.memory_space<hbm>> -> memref<128xi32, #tpu.memory_space<hbm>>
      %dma_start3A_81 = tpu.memref_slice %arg3[%mul3A_60] : memref<160000xi32, #tpu.memory_space<hbm>> -> memref<128xi32, #tpu.memory_space<hbm>>
      tpu.enqueue_dma source(%dma_start3A_81 : memref<128xi32, #tpu.memory_space<hbm>>) target(%arg13 : memref<128xi32, #tpu.memory_space<vmem>>) target_semaphore(%run_scoped3A : memref<!tpu.dma_semaphore, #tpu.memory_space<semaphore_mem>>)
      %dma_wait3A = tpu.memref_slice %arg3[%mul3A_60] : memref<160000xi32, #tpu.memory_space<hbm>> -> memref<128xi32, #tpu.memory_space<hbm>>
      %dma_wait3A_82 = tpu.memref_slice %arg3[%mul3A_60] : memref<160000xi32, #tpu.memory_space<hbm>> -> memref<128xi32, #tpu.memory_space<hbm>>
      tpu.wait_dma2 semaphore(%run_scoped3A : memref<!tpu.dma_semaphore, #tpu.memory_space<semaphore_mem>>) src(%dma_wait3A_82 : memref<128xi32, #tpu.memory_space<hbm>>) dst(%arg13 : memref<128xi32, #tpu.memory_space<vmem>>)
      tpu.yield
    }) : () -> ()
    %dma_start3A_61 = arith.constant 3 : i32
    %dma_start3A_62 = arith.constant 0 : i32
    %dma_start3A_63 = arith.constant 0 : i32
    %dma_start3A_64 = tpu.memref_slice %arg14[%dma_start3A_61, %dma_start3A_62, %dma_start3A_63] : memref<4x128x128xf32, #tpu.memory_space<vmem>> -> memref<1x128x128xf32, #tpu.memory_space<vmem>>
    %dma_start3A_65 = tpu.memref_squeeze %dma_start3A_64 : memref<1x128x128xf32, #tpu.memory_space<vmem>> -> memref<128x128xf32, #tpu.memory_space<vmem>>
    %dma_start3A_66 = arith.constant 0 : i32
    %dma_start3A_67 = arith.constant 0 : i32
    %dma_start3A_68 = tpu.memref_slice %arg4[%dma_start3A_66, %dma_start3A_67] : memref<50000x128xf32, #tpu.memory_space<hbm>> -> memref<50000x128xf32, #tpu.memory_space<hbm>>
    tpu.enqueue_indirect_dma source(%dma_start3A_68 : memref<50000x128xf32, #tpu.memory_space<hbm>>) target(%dma_start3A_65 : memref<128x128xf32, #tpu.memory_space<vmem>>) offsets(%arg9 : memref<128xi32, #tpu.memory_space<vmem>>) semaphore(%arg20 : memref<!tpu.dma_semaphore, #tpu.memory_space<semaphore_mem>>)
    %scan3A_69 = arith.constant 0 : i32
    %scan3A_70 = arith.constant 0 : i32
    %scan3A_71 = arith.constant 10 : i32
    %scan3A_72 = arith.addi %scan3A_70, %scan3A_71 : i32
    %scan3A_73 = arith.constant 1 : i32
    scf.for %scan3A_80 = %scan3A_70 to %scan3A_72 step %scan3A_73  : i32 {
      %mul3A_81 = arith.constant 4 : i32
      %mul3A_82 = arith.muli %scan3A_80, %mul3A_81 : i32
      %add3A_83 = arith.constant 0 : i32
      %add3A_84 = arith.addi %mul3A_82, %add3A_83 : i32
      %mul3A_85 = arith.constant 32 : i32
      %mul3A_86 = arith.muli %add3A_84, %mul3A_85 : i32
      %add3A_87 = arith.addi %mul3A_86, %add3A : i32
      %lt3A = arith.constant 1250 : i32
      %lt3A_88 = arith.cmpi slt, %add3A_87, %lt3A : i32
      %convert_element_type3A = arith.extui %lt3A_88 : i1 to i32
      %cond3A = arith.constant 0 : i32
      %cond3A_89 = arith.cmpi ne, %convert_element_type3A, %cond3A : i32
      scf.if %cond3A_89 {
        %dma_wait3A = arith.constant 0 : i32
        %dma_wait3A_182 = arith.constant 0 : i32
        %dma_wait3A_183 = arith.constant 0 : i32
        %dma_wait3A_184 = tpu.memref_slice %arg14[%dma_wait3A, %dma_wait3A_182, %dma_wait3A_183] : memref<4x128x128xf32, #tpu.memory_space<vmem>> -> memref<1x128x128xf32, #tpu.memory_space<vmem>>
        %dma_wait3A_185 = tpu.memref_squeeze %dma_wait3A_184 : memref<1x128x128xf32, #tpu.memory_space<vmem>> -> memref<128x128xf32, #tpu.memory_space<vmem>>
        %dma_wait3A_186 = arith.constant 0 : i32
        %dma_wait3A_187 = arith.constant 0 : i32
        %dma_wait3A_188 = tpu.memref_slice %arg4[%dma_wait3A_186, %dma_wait3A_187] : memref<50000x128xf32, #tpu.memory_space<hbm>> -> memref<50000x128xf32, #tpu.memory_space<hbm>>
        tpu.wait_indirect_dma semaphore(%arg17 : memref<!tpu.dma_semaphore, #tpu.memory_space<semaphore_mem>>) src(%dma_wait3A_188 : memref<50000x128xf32, #tpu.memory_space<hbm>>) dst(%dma_wait3A_185 : memref<128x128xf32, #tpu.memory_space<vmem>>)
        %run_scoped3A = arith.constant 0 : i32
        "tpu.region"() ({
          %run_scoped3A_189 = tpu.sem_alloc : memref<!tpu.dma_semaphore, #tpu.memory_space<semaphore_mem>>
          %dma_start3A_190 = arith.constant 0 : i32
          %dma_start3A_191 = arith.constant 0 : i32
          %dma_start3A_192 = tpu.memref_slice %arg14[%run_scoped3A, %dma_start3A_190, %dma_start3A_191] : memref<4x128x128xf32, #tpu.memory_space<vmem>> -> memref<1x128x128xf32, #tpu.memory_space<vmem>>
          %dma_start3A_193 = tpu.memref_squeeze %dma_start3A_192 : memref<1x128x128xf32, #tpu.memory_space<vmem>> -> memref<128x128xf32, #tpu.memory_space<vmem>>
          %dma_start3A_194 = arith.constant 0 : i32
          %dma_start3A_195 = arith.constant 0 : i32
          %dma_start3A_196 = tpu.memref_slice %arg16[%dma_start3A_194, %dma_start3A_195] : memref<5120x128xf32, #tpu.memory_space<vmem_shared>> -> memref<5120x128xf32, #tpu.memory_space<vmem_shared>>
          tpu.enqueue_indirect_dma source(%dma_start3A_193 : memref<128x128xf32, #tpu.memory_space<vmem>>) target(%dma_start3A_196 : memref<5120x128xf32, #tpu.memory_space<vmem_shared>>) offsets(%arg10 : memref<128xi32, #tpu.memory_space<vmem>>) semaphore(%run_scoped3A_189 : memref<!tpu.dma_semaphore, #tpu.memory_space<semaphore_mem>>) {add = true}
          %dma_wait3A_197 = arith.constant 0 : i32
          %dma_wait3A_198 = arith.constant 0 : i32
          %dma_wait3A_199 = tpu.memref_slice %arg14[%run_scoped3A, %dma_wait3A_197, %dma_wait3A_198] : memref<4x128x128xf32, #tpu.memory_space<vmem>> -> memref<1x128x128xf32, #tpu.memory_space<vmem>>
          %dma_wait3A_200 = tpu.memref_squeeze %dma_wait3A_199 : memref<1x128x128xf32, #tpu.memory_space<vmem>> -> memref<128x128xf32, #tpu.memory_space<vmem>>
          %dma_wait3A_201 = arith.constant 0 : i32
          %dma_wait3A_202 = arith.constant 0 : i32
          %dma_wait3A_203 = tpu.memref_slice %arg16[%dma_wait3A_201, %dma_wait3A_202] : memref<5120x128xf32, #tpu.memory_space<vmem_shared>> -> memref<5120x128xf32, #tpu.memory_space<vmem_shared>>
          tpu.wait_indirect_dma semaphore(%run_scoped3A_189 : memref<!tpu.dma_semaphore, #tpu.memory_space<semaphore_mem>>) src(%dma_wait3A_200 : memref<128x128xf32, #tpu.memory_space<vmem>>) dst(%dma_wait3A_203 : memref<5120x128xf32, #tpu.memory_space<vmem_shared>>)
          tpu.yield
        }) : () -> ()
      } else {
      }
      %add3A_90 = arith.constant 1 : i32
      %add3A_91 = arith.addi %scan3A_80, %add3A_90 : i32
      %mul3A_92 = arith.constant 4 : i32
      %mul3A_93 = arith.muli %add3A_91, %mul3A_92 : i32
      %add3A_94 = arith.constant 0 : i32
      %add3A_95 = arith.addi %mul3A_93, %add3A_94 : i32
      %mul3A_96 = arith.constant 32 : i32
      %mul3A_97 = arith.muli %add3A_95, %mul3A_96 : i32
      %add3A_98 = arith.addi %mul3A_97, %add3A : i32
      %lt3A_99 = arith.constant 1250 : i32
      %lt3A_100 = arith.cmpi slt, %add3A_98, %lt3A_99 : i32
      %convert_element_type3A_101 = arith.extui %lt3A_100 : i1 to i32
      %cond3A_102 = arith.constant 0 : i32
      %cond3A_103 = arith.cmpi ne, %convert_element_type3A_101, %cond3A_102 : i32
      scf.if %cond3A_103 {
        %mul3A_182 = arith.constant 128 : i32
        %mul3A_183 = arith.muli %add3A_98, %mul3A_182 : i32
        "tpu.region"() ({
          %run_scoped3A = tpu.sem_alloc : memref<!tpu.dma_semaphore, #tpu.memory_space<semaphore_mem>>
          %dma_start3A_192 = tpu.memref_slice %arg2[%mul3A_183] : memref<160000xi32, #tpu.memory_space<hbm>> -> memref<128xi32, #tpu.memory_space<hbm>>
          %dma_start3A_193 = tpu.memref_slice %arg2[%mul3A_183] : memref<160000xi32, #tpu.memory_space<hbm>> -> memref<128xi32, #tpu.memory_space<hbm>>
          tpu.enqueue_dma source(%dma_start3A_193 : memref<128xi32, #tpu.memory_space<hbm>>) target(%arg6 : memref<128xi32, #tpu.memory_space<vmem>>) target_semaphore(%run_scoped3A : memref<!tpu.dma_semaphore, #tpu.memory_space<semaphore_mem>>)
          %dma_wait3A = tpu.memref_slice %arg2[%mul3A_183] : memref<160000xi32, #tpu.memory_space<hbm>> -> memref<128xi32, #tpu.memory_space<hbm>>
          %dma_wait3A_194 = tpu.memref_slice %arg2[%mul3A_183] : memref<160000xi32, #tpu.memory_space<hbm>> -> memref<128xi32, #tpu.memory_space<hbm>>
          tpu.wait_dma2 semaphore(%run_scoped3A : memref<!tpu.dma_semaphore, #tpu.memory_space<semaphore_mem>>) src(%dma_wait3A_194 : memref<128xi32, #tpu.memory_space<hbm>>) dst(%arg6 : memref<128xi32, #tpu.memory_space<vmem>>)
          tpu.yield
        }) : () -> ()
        "tpu.region"() ({
          %run_scoped3A = tpu.sem_alloc : memref<!tpu.dma_semaphore, #tpu.memory_space<semaphore_mem>>
          %dma_start3A_192 = tpu.memref_slice %arg3[%mul3A_183] : memref<160000xi32, #tpu.memory_space<hbm>> -> memref<128xi32, #tpu.memory_space<hbm>>
          %dma_start3A_193 = tpu.memref_slice %arg3[%mul3A_183] : memref<160000xi32, #tpu.memory_space<hbm>> -> memref<128xi32, #tpu.memory_space<hbm>>
          tpu.enqueue_dma source(%dma_start3A_193 : memref<128xi32, #tpu.memory_space<hbm>>) target(%arg10 : memref<128xi32, #tpu.memory_space<vmem>>) target_semaphore(%run_scoped3A : memref<!tpu.dma_semaphore, #tpu.memory_space<semaphore_mem>>)
          %dma_wait3A = tpu.memref_slice %arg3[%mul3A_183] : memref<160000xi32, #tpu.memory_space<hbm>> -> memref<128xi32, #tpu.memory_space<hbm>>
          %dma_wait3A_194 = tpu.memref_slice %arg3[%mul3A_183] : memref<160000xi32, #tpu.memory_space<hbm>> -> memref<128xi32, #tpu.memory_space<hbm>>
          tpu.wait_dma2 semaphore(%run_scoped3A : memref<!tpu.dma_semaphore, #tpu.memory_space<semaphore_mem>>) src(%dma_wait3A_194 : memref<128xi32, #tpu.memory_space<hbm>>) dst(%arg10 : memref<128xi32, #tpu.memory_space<vmem>>)
          tpu.yield
        }) : () -> ()
        %dma_start3A_184 = arith.constant 0 : i32
        %dma_start3A_185 = arith.constant 0 : i32
        %dma_start3A_186 = arith.constant 0 : i32
        %dma_start3A_187 = tpu.memref_slice %arg14[%dma_start3A_184, %dma_start3A_185, %dma_start3A_186] : memref<4x128x128xf32, #tpu.memory_space<vmem>> -> memref<1x128x128xf32, #tpu.memory_space<vmem>>
        %dma_start3A_188 = tpu.memref_squeeze %dma_start3A_187 : memref<1x128x128xf32, #tpu.memory_space<vmem>> -> memref<128x128xf32, #tpu.memory_space<vmem>>
        %dma_start3A_189 = arith.constant 0 : i32
        %dma_start3A_190 = arith.constant 0 : i32
        %dma_start3A_191 = tpu.memref_slice %arg4[%dma_start3A_189, %dma_start3A_190] : memref<50000x128xf32, #tpu.memory_space<hbm>> -> memref<50000x128xf32, #tpu.memory_space<hbm>>
        tpu.enqueue_indirect_dma source(%dma_start3A_191 : memref<50000x128xf32, #tpu.memory_space<hbm>>) target(%dma_start3A_188 : memref<128x128xf32, #tpu.memory_space<vmem>>) offsets(%arg6 : memref<128xi32, #tpu.memory_space<vmem>>) semaphore(%arg17 : memref<!tpu.dma_semaphore, #tpu.memory_space<semaphore_mem>>)
      } else {
      }
      %mul3A_104 = arith.constant 4 : i32
      %mul3A_105 = arith.muli %scan3A_80, %mul3A_104 : i32
      %add3A_106 = arith.constant 1 : i32
      %add3A_107 = arith.addi %mul3A_105, %add3A_106 : i32
      %mul3A_108 = arith.constant 32 : i32
      %mul3A_109 = arith.muli %add3A_107, %mul3A_108 : i32
      %add3A_110 = arith.addi %mul3A_109, %add3A : i32
      %lt3A_111 = arith.constant 1250 : i32
      %lt3A_112 = arith.cmpi slt, %add3A_110, %lt3A_111 : i32
      %convert_element_type3A_113 = arith.extui %lt3A_112 : i1 to i32
      %cond3A_114 = arith.constant 0 : i32
      %cond3A_115 = arith.cmpi ne, %convert_element_type3A_113, %cond3A_114 : i32
      scf.if %cond3A_115 {
        %dma_wait3A = arith.constant 1 : i32
        %dma_wait3A_182 = arith.constant 0 : i32
        %dma_wait3A_183 = arith.constant 0 : i32
        %dma_wait3A_184 = tpu.memref_slice %arg14[%dma_wait3A, %dma_wait3A_182, %dma_wait3A_183] : memref<4x128x128xf32, #tpu.memory_space<vmem>> -> memref<1x128x128xf32, #tpu.memory_space<vmem>>
        %dma_wait3A_185 = tpu.memref_squeeze %dma_wait3A_184 : memref<1x128x128xf32, #tpu.memory_space<vmem>> -> memref<128x128xf32, #tpu.memory_space<vmem>>
        %dma_wait3A_186 = arith.constant 0 : i32
        %dma_wait3A_187 = arith.constant 0 : i32
        %dma_wait3A_188 = tpu.memref_slice %arg4[%dma_wait3A_186, %dma_wait3A_187] : memref<50000x128xf32, #tpu.memory_space<hbm>> -> memref<50000x128xf32, #tpu.memory_space<hbm>>
        tpu.wait_indirect_dma semaphore(%arg18 : memref<!tpu.dma_semaphore, #tpu.memory_space<semaphore_mem>>) src(%dma_wait3A_188 : memref<50000x128xf32, #tpu.memory_space<hbm>>) dst(%dma_wait3A_185 : memref<128x128xf32, #tpu.memory_space<vmem>>)
        %run_scoped3A = arith.constant 1 : i32
        "tpu.region"() ({
          %run_scoped3A_189 = tpu.sem_alloc : memref<!tpu.dma_semaphore, #tpu.memory_space<semaphore_mem>>
          %dma_start3A_190 = arith.constant 0 : i32
          %dma_start3A_191 = arith.constant 0 : i32
          %dma_start3A_192 = tpu.memref_slice %arg14[%run_scoped3A, %dma_start3A_190, %dma_start3A_191] : memref<4x128x128xf32, #tpu.memory_space<vmem>> -> memref<1x128x128xf32, #tpu.memory_space<vmem>>
          %dma_start3A_193 = tpu.memref_squeeze %dma_start3A_192 : memref<1x128x128xf32, #tpu.memory_space<vmem>> -> memref<128x128xf32, #tpu.memory_space<vmem>>
          %dma_start3A_194 = arith.constant 0 : i32
          %dma_start3A_195 = arith.constant 0 : i32
          %dma_start3A_196 = tpu.memref_slice %arg16[%dma_start3A_194, %dma_start3A_195] : memref<5120x128xf32, #tpu.memory_space<vmem_shared>> -> memref<5120x128xf32, #tpu.memory_space<vmem_shared>>
          tpu.enqueue_indirect_dma source(%dma_start3A_193 : memref<128x128xf32, #tpu.memory_space<vmem>>) target(%dma_start3A_196 : memref<5120x128xf32, #tpu.memory_space<vmem_shared>>) offsets(%arg11 : memref<128xi32, #tpu.memory_space<vmem>>) semaphore(%run_scoped3A_189 : memref<!tpu.dma_semaphore, #tpu.memory_space<semaphore_mem>>) {add = true}
          %dma_wait3A_197 = arith.constant 0 : i32
          %dma_wait3A_198 = arith.constant 0 : i32
          %dma_wait3A_199 = tpu.memref_slice %arg14[%run_scoped3A, %dma_wait3A_197, %dma_wait3A_198] : memref<4x128x128xf32, #tpu.memory_space<vmem>> -> memref<1x128x128xf32, #tpu.memory_space<vmem>>
          %dma_wait3A_200 = tpu.memref_squeeze %dma_wait3A_199 : memref<1x128x128xf32, #tpu.memory_space<vmem>> -> memref<128x128xf32, #tpu.memory_space<vmem>>
          %dma_wait3A_201 = arith.constant 0 : i32
          %dma_wait3A_202 = arith.constant 0 : i32
          %dma_wait3A_203 = tpu.memref_slice %arg16[%dma_wait3A_201, %dma_wait3A_202] : memref<5120x128xf32, #tpu.memory_space<vmem_shared>> -> memref<5120x128xf32, #tpu.memory_space<vmem_shared>>
          tpu.wait_indirect_dma semaphore(%run_scoped3A_189 : memref<!tpu.dma_semaphore, #tpu.memory_space<semaphore_mem>>) src(%dma_wait3A_200 : memref<128x128xf32, #tpu.memory_space<vmem>>) dst(%dma_wait3A_203 : memref<5120x128xf32, #tpu.memory_space<vmem_shared>>)
          tpu.yield
        }) : () -> ()
      } else {
      }
      %add3A_116 = arith.constant 1 : i32
      %add3A_117 = arith.addi %scan3A_80, %add3A_116 : i32
      %mul3A_118 = arith.constant 4 : i32
      %mul3A_119 = arith.muli %add3A_117, %mul3A_118 : i32
      %add3A_120 = arith.constant 1 : i32
      %add3A_121 = arith.addi %mul3A_119, %add3A_120 : i32
      %mul3A_122 = arith.constant 32 : i32
      %mul3A_123 = arith.muli %add3A_121, %mul3A_122 : i32
      %add3A_124 = arith.addi %mul3A_123, %add3A : i32
      %lt3A_125 = arith.constant 1250 : i32
      %lt3A_126 = arith.cmpi slt, %add3A_124, %lt3A_125 : i32
      %convert_element_type3A_127 = arith.extui %lt3A_126 : i1 to i32
      %cond3A_128 = arith.constant 0 : i32
      %cond3A_129 = arith.cmpi ne, %convert_element_type3A_127, %cond3A_128 : i32
      scf.if %cond3A_129 {
        %mul3A_182 = arith.constant 128 : i32
        %mul3A_183 = arith.muli %add3A_124, %mul3A_182 : i32
        "tpu.region"() ({
          %run_scoped3A = tpu.sem_alloc : memref<!tpu.dma_semaphore, #tpu.memory_space<semaphore_mem>>
          %dma_start3A_192 = tpu.memref_slice %arg2[%mul3A_183] : memref<160000xi32, #tpu.memory_space<hbm>> -> memref<128xi32, #tpu.memory_space<hbm>>
          %dma_start3A_193 = tpu.memref_slice %arg2[%mul3A_183] : memref<160000xi32, #tpu.memory_space<hbm>> -> memref<128xi32, #tpu.memory_space<hbm>>
          tpu.enqueue_dma source(%dma_start3A_193 : memref<128xi32, #tpu.memory_space<hbm>>) target(%arg7 : memref<128xi32, #tpu.memory_space<vmem>>) target_semaphore(%run_scoped3A : memref<!tpu.dma_semaphore, #tpu.memory_space<semaphore_mem>>)
          %dma_wait3A = tpu.memref_slice %arg2[%mul3A_183] : memref<160000xi32, #tpu.memory_space<hbm>> -> memref<128xi32, #tpu.memory_space<hbm>>
          %dma_wait3A_194 = tpu.memref_slice %arg2[%mul3A_183] : memref<160000xi32, #tpu.memory_space<hbm>> -> memref<128xi32, #tpu.memory_space<hbm>>
          tpu.wait_dma2 semaphore(%run_scoped3A : memref<!tpu.dma_semaphore, #tpu.memory_space<semaphore_mem>>) src(%dma_wait3A_194 : memref<128xi32, #tpu.memory_space<hbm>>) dst(%arg7 : memref<128xi32, #tpu.memory_space<vmem>>)
          tpu.yield
        }) : () -> ()
        "tpu.region"() ({
          %run_scoped3A = tpu.sem_alloc : memref<!tpu.dma_semaphore, #tpu.memory_space<semaphore_mem>>
          %dma_start3A_192 = tpu.memref_slice %arg3[%mul3A_183] : memref<160000xi32, #tpu.memory_space<hbm>> -> memref<128xi32, #tpu.memory_space<hbm>>
          %dma_start3A_193 = tpu.memref_slice %arg3[%mul3A_183] : memref<160000xi32, #tpu.memory_space<hbm>> -> memref<128xi32, #tpu.memory_space<hbm>>
          tpu.enqueue_dma source(%dma_start3A_193 : memref<128xi32, #tpu.memory_space<hbm>>) target(%arg11 : memref<128xi32, #tpu.memory_space<vmem>>) target_semaphore(%run_scoped3A : memref<!tpu.dma_semaphore, #tpu.memory_space<semaphore_mem>>)
          %dma_wait3A = tpu.memref_slice %arg3[%mul3A_183] : memref<160000xi32, #tpu.memory_space<hbm>> -> memref<128xi32, #tpu.memory_space<hbm>>
          %dma_wait3A_194 = tpu.memref_slice %arg3[%mul3A_183] : memref<160000xi32, #tpu.memory_space<hbm>> -> memref<128xi32, #tpu.memory_space<hbm>>
          tpu.wait_dma2 semaphore(%run_scoped3A : memref<!tpu.dma_semaphore, #tpu.memory_space<semaphore_mem>>) src(%dma_wait3A_194 : memref<128xi32, #tpu.memory_space<hbm>>) dst(%arg11 : memref<128xi32, #tpu.memory_space<vmem>>)
          tpu.yield
        }) : () -> ()
        %dma_start3A_184 = arith.constant 1 : i32
        %dma_start3A_185 = arith.constant 0 : i32
        %dma_start3A_186 = arith.constant 0 : i32
        %dma_start3A_187 = tpu.memref_slice %arg14[%dma_start3A_184, %dma_start3A_185, %dma_start3A_186] : memref<4x128x128xf32, #tpu.memory_space<vmem>> -> memref<1x128x128xf32, #tpu.memory_space<vmem>>
        %dma_start3A_188 = tpu.memref_squeeze %dma_start3A_187 : memref<1x128x128xf32, #tpu.memory_space<vmem>> -> memref<128x128xf32, #tpu.memory_space<vmem>>
        %dma_start3A_189 = arith.constant 0 : i32
        %dma_start3A_190 = arith.constant 0 : i32
        %dma_start3A_191 = tpu.memref_slice %arg4[%dma_start3A_189, %dma_start3A_190] : memref<50000x128xf32, #tpu.memory_space<hbm>> -> memref<50000x128xf32, #tpu.memory_space<hbm>>
        tpu.enqueue_indirect_dma source(%dma_start3A_191 : memref<50000x128xf32, #tpu.memory_space<hbm>>) target(%dma_start3A_188 : memref<128x128xf32, #tpu.memory_space<vmem>>) offsets(%arg7 : memref<128xi32, #tpu.memory_space<vmem>>) semaphore(%arg18 : memref<!tpu.dma_semaphore, #tpu.memory_space<semaphore_mem>>)
      } else {
      }
      %mul3A_130 = arith.constant 4 : i32
      %mul3A_131 = arith.muli %scan3A_80, %mul3A_130 : i32
      %add3A_132 = arith.constant 2 : i32
      %add3A_133 = arith.addi %mul3A_131, %add3A_132 : i32
      %mul3A_134 = arith.constant 32 : i32
      %mul3A_135 = arith.muli %add3A_133, %mul3A_134 : i32
      %add3A_136 = arith.addi %mul3A_135, %add3A : i32
      %lt3A_137 = arith.constant 1250 : i32
      %lt3A_138 = arith.cmpi slt, %add3A_136, %lt3A_137 : i32
      %convert_element_type3A_139 = arith.extui %lt3A_138 : i1 to i32
      %cond3A_140 = arith.constant 0 : i32
      %cond3A_141 = arith.cmpi ne, %convert_element_type3A_139, %cond3A_140 : i32
      scf.if %cond3A_141 {
        %dma_wait3A = arith.constant 2 : i32
        %dma_wait3A_182 = arith.constant 0 : i32
        %dma_wait3A_183 = arith.constant 0 : i32
        %dma_wait3A_184 = tpu.memref_slice %arg14[%dma_wait3A, %dma_wait3A_182, %dma_wait3A_183] : memref<4x128x128xf32, #tpu.memory_space<vmem>> -> memref<1x128x128xf32, #tpu.memory_space<vmem>>
        %dma_wait3A_185 = tpu.memref_squeeze %dma_wait3A_184 : memref<1x128x128xf32, #tpu.memory_space<vmem>> -> memref<128x128xf32, #tpu.memory_space<vmem>>
        %dma_wait3A_186 = arith.constant 0 : i32
        %dma_wait3A_187 = arith.constant 0 : i32
        %dma_wait3A_188 = tpu.memref_slice %arg4[%dma_wait3A_186, %dma_wait3A_187] : memref<50000x128xf32, #tpu.memory_space<hbm>> -> memref<50000x128xf32, #tpu.memory_space<hbm>>
        tpu.wait_indirect_dma semaphore(%arg19 : memref<!tpu.dma_semaphore, #tpu.memory_space<semaphore_mem>>) src(%dma_wait3A_188 : memref<50000x128xf32, #tpu.memory_space<hbm>>) dst(%dma_wait3A_185 : memref<128x128xf32, #tpu.memory_space<vmem>>)
        %run_scoped3A = arith.constant 2 : i32
        "tpu.region"() ({
          %run_scoped3A_189 = tpu.sem_alloc : memref<!tpu.dma_semaphore, #tpu.memory_space<semaphore_mem>>
          %dma_start3A_190 = arith.constant 0 : i32
          %dma_start3A_191 = arith.constant 0 : i32
          %dma_start3A_192 = tpu.memref_slice %arg14[%run_scoped3A, %dma_start3A_190, %dma_start3A_191] : memref<4x128x128xf32, #tpu.memory_space<vmem>> -> memref<1x128x128xf32, #tpu.memory_space<vmem>>
          %dma_start3A_193 = tpu.memref_squeeze %dma_start3A_192 : memref<1x128x128xf32, #tpu.memory_space<vmem>> -> memref<128x128xf32, #tpu.memory_space<vmem>>
          %dma_start3A_194 = arith.constant 0 : i32
          %dma_start3A_195 = arith.constant 0 : i32
          %dma_start3A_196 = tpu.memref_slice %arg16[%dma_start3A_194, %dma_start3A_195] : memref<5120x128xf32, #tpu.memory_space<vmem_shared>> -> memref<5120x128xf32, #tpu.memory_space<vmem_shared>>
          tpu.enqueue_indirect_dma source(%dma_start3A_193 : memref<128x128xf32, #tpu.memory_space<vmem>>) target(%dma_start3A_196 : memref<5120x128xf32, #tpu.memory_space<vmem_shared>>) offsets(%arg12 : memref<128xi32, #tpu.memory_space<vmem>>) semaphore(%run_scoped3A_189 : memref<!tpu.dma_semaphore, #tpu.memory_space<semaphore_mem>>) {add = true}
          %dma_wait3A_197 = arith.constant 0 : i32
          %dma_wait3A_198 = arith.constant 0 : i32
          %dma_wait3A_199 = tpu.memref_slice %arg14[%run_scoped3A, %dma_wait3A_197, %dma_wait3A_198] : memref<4x128x128xf32, #tpu.memory_space<vmem>> -> memref<1x128x128xf32, #tpu.memory_space<vmem>>
          %dma_wait3A_200 = tpu.memref_squeeze %dma_wait3A_199 : memref<1x128x128xf32, #tpu.memory_space<vmem>> -> memref<128x128xf32, #tpu.memory_space<vmem>>
          %dma_wait3A_201 = arith.constant 0 : i32
          %dma_wait3A_202 = arith.constant 0 : i32
          %dma_wait3A_203 = tpu.memref_slice %arg16[%dma_wait3A_201, %dma_wait3A_202] : memref<5120x128xf32, #tpu.memory_space<vmem_shared>> -> memref<5120x128xf32, #tpu.memory_space<vmem_shared>>
          tpu.wait_indirect_dma semaphore(%run_scoped3A_189 : memref<!tpu.dma_semaphore, #tpu.memory_space<semaphore_mem>>) src(%dma_wait3A_200 : memref<128x128xf32, #tpu.memory_space<vmem>>) dst(%dma_wait3A_203 : memref<5120x128xf32, #tpu.memory_space<vmem_shared>>)
          tpu.yield
        }) : () -> ()
      } else {
      }
      %add3A_142 = arith.constant 1 : i32
      %add3A_143 = arith.addi %scan3A_80, %add3A_142 : i32
      %mul3A_144 = arith.constant 4 : i32
      %mul3A_145 = arith.muli %add3A_143, %mul3A_144 : i32
      %add3A_146 = arith.constant 2 : i32
      %add3A_147 = arith.addi %mul3A_145, %add3A_146 : i32
      %mul3A_148 = arith.constant 32 : i32
      %mul3A_149 = arith.muli %add3A_147, %mul3A_148 : i32
      %add3A_150 = arith.addi %mul3A_149, %add3A : i32
      %lt3A_151 = arith.constant 1250 : i32
      %lt3A_152 = arith.cmpi slt, %add3A_150, %lt3A_151 : i32
      %convert_element_type3A_153 = arith.extui %lt3A_152 : i1 to i32
      %cond3A_154 = arith.constant 0 : i32
      %cond3A_155 = arith.cmpi ne, %convert_element_type3A_153, %cond3A_154 : i32
      scf.if %cond3A_155 {
        %mul3A_182 = arith.constant 128 : i32
        %mul3A_183 = arith.muli %add3A_150, %mul3A_182 : i32
        "tpu.region"() ({
          %run_scoped3A = tpu.sem_alloc : memref<!tpu.dma_semaphore, #tpu.memory_space<semaphore_mem>>
          %dma_start3A_192 = tpu.memref_slice %arg2[%mul3A_183] : memref<160000xi32, #tpu.memory_space<hbm>> -> memref<128xi32, #tpu.memory_space<hbm>>
          %dma_start3A_193 = tpu.memref_slice %arg2[%mul3A_183] : memref<160000xi32, #tpu.memory_space<hbm>> -> memref<128xi32, #tpu.memory_space<hbm>>
          tpu.enqueue_dma source(%dma_start3A_193 : memref<128xi32, #tpu.memory_space<hbm>>) target(%arg8 : memref<128xi32, #tpu.memory_space<vmem>>) target_semaphore(%run_scoped3A : memref<!tpu.dma_semaphore, #tpu.memory_space<semaphore_mem>>)
          %dma_wait3A = tpu.memref_slice %arg2[%mul3A_183] : memref<160000xi32, #tpu.memory_space<hbm>> -> memref<128xi32, #tpu.memory_space<hbm>>
          %dma_wait3A_194 = tpu.memref_slice %arg2[%mul3A_183] : memref<160000xi32, #tpu.memory_space<hbm>> -> memref<128xi32, #tpu.memory_space<hbm>>
          tpu.wait_dma2 semaphore(%run_scoped3A : memref<!tpu.dma_semaphore, #tpu.memory_space<semaphore_mem>>) src(%dma_wait3A_194 : memref<128xi32, #tpu.memory_space<hbm>>) dst(%arg8 : memref<128xi32, #tpu.memory_space<vmem>>)
          tpu.yield
        }) : () -> ()
        "tpu.region"() ({
          %run_scoped3A = tpu.sem_alloc : memref<!tpu.dma_semaphore, #tpu.memory_space<semaphore_mem>>
          %dma_start3A_192 = tpu.memref_slice %arg3[%mul3A_183] : memref<160000xi32, #tpu.memory_space<hbm>> -> memref<128xi32, #tpu.memory_space<hbm>>
          %dma_start3A_193 = tpu.memref_slice %arg3[%mul3A_183] : memref<160000xi32, #tpu.memory_space<hbm>> -> memref<128xi32, #tpu.memory_space<hbm>>
          tpu.enqueue_dma source(%dma_start3A_193 : memref<128xi32, #tpu.memory_space<hbm>>) target(%arg12 : memref<128xi32, #tpu.memory_space<vmem>>) target_semaphore(%run_scoped3A : memref<!tpu.dma_semaphore, #tpu.memory_space<semaphore_mem>>)
          %dma_wait3A = tpu.memref_slice %arg3[%mul3A_183] : memref<160000xi32, #tpu.memory_space<hbm>> -> memref<128xi32, #tpu.memory_space<hbm>>
          %dma_wait3A_194 = tpu.memref_slice %arg3[%mul3A_183] : memref<160000xi32, #tpu.memory_space<hbm>> -> memref<128xi32, #tpu.memory_space<hbm>>
          tpu.wait_dma2 semaphore(%run_scoped3A : memref<!tpu.dma_semaphore, #tpu.memory_space<semaphore_mem>>) src(%dma_wait3A_194 : memref<128xi32, #tpu.memory_space<hbm>>) dst(%arg12 : memref<128xi32, #tpu.memory_space<vmem>>)
          tpu.yield
        }) : () -> ()
        %dma_start3A_184 = arith.constant 2 : i32
        %dma_start3A_185 = arith.constant 0 : i32
        %dma_start3A_186 = arith.constant 0 : i32
        %dma_start3A_187 = tpu.memref_slice %arg14[%dma_start3A_184, %dma_start3A_185, %dma_start3A_186] : memref<4x128x128xf32, #tpu.memory_space<vmem>> -> memref<1x128x128xf32, #tpu.memory_space<vmem>>
        %dma_start3A_188 = tpu.memref_squeeze %dma_start3A_187 : memref<1x128x128xf32, #tpu.memory_space<vmem>> -> memref<128x128xf32, #tpu.memory_space<vmem>>
        %dma_start3A_189 = arith.constant 0 : i32
        %dma_start3A_190 = arith.constant 0 : i32
        %dma_start3A_191 = tpu.memref_slice %arg4[%dma_start3A_189, %dma_start3A_190] : memref<50000x128xf32, #tpu.memory_space<hbm>> -> memref<50000x128xf32, #tpu.memory_space<hbm>>
        tpu.enqueue_indirect_dma source(%dma_start3A_191 : memref<50000x128xf32, #tpu.memory_space<hbm>>) target(%dma_start3A_188 : memref<128x128xf32, #tpu.memory_space<vmem>>) offsets(%arg8 : memref<128xi32, #tpu.memory_space<vmem>>) semaphore(%arg19 : memref<!tpu.dma_semaphore, #tpu.memory_space<semaphore_mem>>)
      } else {
      }
      %mul3A_156 = arith.constant 4 : i32
      %mul3A_157 = arith.muli %scan3A_80, %mul3A_156 : i32
      %add3A_158 = arith.constant 3 : i32
      %add3A_159 = arith.addi %mul3A_157, %add3A_158 : i32
      %mul3A_160 = arith.constant 32 : i32
      %mul3A_161 = arith.muli %add3A_159, %mul3A_160 : i32
      %add3A_162 = arith.addi %mul3A_161, %add3A : i32
      %lt3A_163 = arith.constant 1250 : i32
      %lt3A_164 = arith.cmpi slt, %add3A_162, %lt3A_163 : i32
      %convert_element_type3A_165 = arith.extui %lt3A_164 : i1 to i32
      %cond3A_166 = arith.constant 0 : i32
      %cond3A_167 = arith.cmpi ne, %convert_element_type3A_165, %cond3A_166 : i32
      scf.if %cond3A_167 {
        %dma_wait3A = arith.constant 3 : i32
        %dma_wait3A_182 = arith.constant 0 : i32
        %dma_wait3A_183 = arith.constant 0 : i32
        %dma_wait3A_184 = tpu.memref_slice %arg14[%dma_wait3A, %dma_wait3A_182, %dma_wait3A_183] : memref<4x128x128xf32, #tpu.memory_space<vmem>> -> memref<1x128x128xf32, #tpu.memory_space<vmem>>
        %dma_wait3A_185 = tpu.memref_squeeze %dma_wait3A_184 : memref<1x128x128xf32, #tpu.memory_space<vmem>> -> memref<128x128xf32, #tpu.memory_space<vmem>>
        %dma_wait3A_186 = arith.constant 0 : i32
        %dma_wait3A_187 = arith.constant 0 : i32
        %dma_wait3A_188 = tpu.memref_slice %arg4[%dma_wait3A_186, %dma_wait3A_187] : memref<50000x128xf32, #tpu.memory_space<hbm>> -> memref<50000x128xf32, #tpu.memory_space<hbm>>
        tpu.wait_indirect_dma semaphore(%arg20 : memref<!tpu.dma_semaphore, #tpu.memory_space<semaphore_mem>>) src(%dma_wait3A_188 : memref<50000x128xf32, #tpu.memory_space<hbm>>) dst(%dma_wait3A_185 : memref<128x128xf32, #tpu.memory_space<vmem>>)
        %run_scoped3A = arith.constant 3 : i32
        "tpu.region"() ({
          %run_scoped3A_189 = tpu.sem_alloc : memref<!tpu.dma_semaphore, #tpu.memory_space<semaphore_mem>>
          %dma_start3A_190 = arith.constant 0 : i32
          %dma_start3A_191 = arith.constant 0 : i32
          %dma_start3A_192 = tpu.memref_slice %arg14[%run_scoped3A, %dma_start3A_190, %dma_start3A_191] : memref<4x128x128xf32, #tpu.memory_space<vmem>> -> memref<1x128x128xf32, #tpu.memory_space<vmem>>
          %dma_start3A_193 = tpu.memref_squeeze %dma_start3A_192 : memref<1x128x128xf32, #tpu.memory_space<vmem>> -> memref<128x128xf32, #tpu.memory_space<vmem>>
          %dma_start3A_194 = arith.constant 0 : i32
          %dma_start3A_195 = arith.constant 0 : i32
          %dma_start3A_196 = tpu.memref_slice %arg16[%dma_start3A_194, %dma_start3A_195] : memref<5120x128xf32, #tpu.memory_space<vmem_shared>> -> memref<5120x128xf32, #tpu.memory_space<vmem_shared>>
          tpu.enqueue_indirect_dma source(%dma_start3A_193 : memref<128x128xf32, #tpu.memory_space<vmem>>) target(%dma_start3A_196 : memref<5120x128xf32, #tpu.memory_space<vmem_shared>>) offsets(%arg13 : memref<128xi32, #tpu.memory_space<vmem>>) semaphore(%run_scoped3A_189 : memref<!tpu.dma_semaphore, #tpu.memory_space<semaphore_mem>>) {add = true}
          %dma_wait3A_197 = arith.constant 0 : i32
          %dma_wait3A_198 = arith.constant 0 : i32
          %dma_wait3A_199 = tpu.memref_slice %arg14[%run_scoped3A, %dma_wait3A_197, %dma_wait3A_198] : memref<4x128x128xf32, #tpu.memory_space<vmem>> -> memref<1x128x128xf32, #tpu.memory_space<vmem>>
          %dma_wait3A_200 = tpu.memref_squeeze %dma_wait3A_199 : memref<1x128x128xf32, #tpu.memory_space<vmem>> -> memref<128x128xf32, #tpu.memory_space<vmem>>
          %dma_wait3A_201 = arith.constant 0 : i32
          %dma_wait3A_202 = arith.constant 0 : i32
          %dma_wait3A_203 = tpu.memref_slice %arg16[%dma_wait3A_201, %dma_wait3A_202] : memref<5120x128xf32, #tpu.memory_space<vmem_shared>> -> memref<5120x128xf32, #tpu.memory_space<vmem_shared>>
          tpu.wait_indirect_dma semaphore(%run_scoped3A_189 : memref<!tpu.dma_semaphore, #tpu.memory_space<semaphore_mem>>) src(%dma_wait3A_200 : memref<128x128xf32, #tpu.memory_space<vmem>>) dst(%dma_wait3A_203 : memref<5120x128xf32, #tpu.memory_space<vmem_shared>>)
          tpu.yield
        }) : () -> ()
      } else {
      }
      %add3A_168 = arith.constant 1 : i32
      %add3A_169 = arith.addi %scan3A_80, %add3A_168 : i32
      %mul3A_170 = arith.constant 4 : i32
      %mul3A_171 = arith.muli %add3A_169, %mul3A_170 : i32
      %add3A_172 = arith.constant 3 : i32
      %add3A_173 = arith.addi %mul3A_171, %add3A_172 : i32
      %mul3A_174 = arith.constant 32 : i32
      %mul3A_175 = arith.muli %add3A_173, %mul3A_174 : i32
      %add3A_176 = arith.addi %mul3A_175, %add3A : i32
      %lt3A_177 = arith.constant 1250 : i32
      %lt3A_178 = arith.cmpi slt, %add3A_176, %lt3A_177 : i32
      %convert_element_type3A_179 = arith.extui %lt3A_178 : i1 to i32
      %cond3A_180 = arith.constant 0 : i32
      %cond3A_181 = arith.cmpi ne, %convert_element_type3A_179, %cond3A_180 : i32
      scf.if %cond3A_181 {
        %mul3A_182 = arith.constant 128 : i32
        %mul3A_183 = arith.muli %add3A_176, %mul3A_182 : i32
        "tpu.region"() ({
          %run_scoped3A = tpu.sem_alloc : memref<!tpu.dma_semaphore, #tpu.memory_space<semaphore_mem>>
          %dma_start3A_192 = tpu.memref_slice %arg2[%mul3A_183] : memref<160000xi32, #tpu.memory_space<hbm>> -> memref<128xi32, #tpu.memory_space<hbm>>
          %dma_start3A_193 = tpu.memref_slice %arg2[%mul3A_183] : memref<160000xi32, #tpu.memory_space<hbm>> -> memref<128xi32, #tpu.memory_space<hbm>>
          tpu.enqueue_dma source(%dma_start3A_193 : memref<128xi32, #tpu.memory_space<hbm>>) target(%arg9 : memref<128xi32, #tpu.memory_space<vmem>>) target_semaphore(%run_scoped3A : memref<!tpu.dma_semaphore, #tpu.memory_space<semaphore_mem>>)
          %dma_wait3A = tpu.memref_slice %arg2[%mul3A_183] : memref<160000xi32, #tpu.memory_space<hbm>> -> memref<128xi32, #tpu.memory_space<hbm>>
          %dma_wait3A_194 = tpu.memref_slice %arg2[%mul3A_183] : memref<160000xi32, #tpu.memory_space<hbm>> -> memref<128xi32, #tpu.memory_space<hbm>>
          tpu.wait_dma2 semaphore(%run_scoped3A : memref<!tpu.dma_semaphore, #tpu.memory_space<semaphore_mem>>) src(%dma_wait3A_194 : memref<128xi32, #tpu.memory_space<hbm>>) dst(%arg9 : memref<128xi32, #tpu.memory_space<vmem>>)
          tpu.yield
        }) : () -> ()
        "tpu.region"() ({
          %run_scoped3A = tpu.sem_alloc : memref<!tpu.dma_semaphore, #tpu.memory_space<semaphore_mem>>
          %dma_start3A_192 = tpu.memref_slice %arg3[%mul3A_183] : memref<160000xi32, #tpu.memory_space<hbm>> -> memref<128xi32, #tpu.memory_space<hbm>>
          %dma_start3A_193 = tpu.memref_slice %arg3[%mul3A_183] : memref<160000xi32, #tpu.memory_space<hbm>> -> memref<128xi32, #tpu.memory_space<hbm>>
          tpu.enqueue_dma source(%dma_start3A_193 : memref<128xi32, #tpu.memory_space<hbm>>) target(%arg13 : memref<128xi32, #tpu.memory_space<vmem>>) target_semaphore(%run_scoped3A : memref<!tpu.dma_semaphore, #tpu.memory_space<semaphore_mem>>)
          %dma_wait3A = tpu.memref_slice %arg3[%mul3A_183] : memref<160000xi32, #tpu.memory_space<hbm>> -> memref<128xi32, #tpu.memory_space<hbm>>
          %dma_wait3A_194 = tpu.memref_slice %arg3[%mul3A_183] : memref<160000xi32, #tpu.memory_space<hbm>> -> memref<128xi32, #tpu.memory_space<hbm>>
          tpu.wait_dma2 semaphore(%run_scoped3A : memref<!tpu.dma_semaphore, #tpu.memory_space<semaphore_mem>>) src(%dma_wait3A_194 : memref<128xi32, #tpu.memory_space<hbm>>) dst(%arg13 : memref<128xi32, #tpu.memory_space<vmem>>)
          tpu.yield
        }) : () -> ()
        %dma_start3A_184 = arith.constant 3 : i32
        %dma_start3A_185 = arith.constant 0 : i32
        %dma_start3A_186 = arith.constant 0 : i32
        %dma_start3A_187 = tpu.memref_slice %arg14[%dma_start3A_184, %dma_start3A_185, %dma_start3A_186] : memref<4x128x128xf32, #tpu.memory_space<vmem>> -> memref<1x128x128xf32, #tpu.memory_space<vmem>>
        %dma_start3A_188 = tpu.memref_squeeze %dma_start3A_187 : memref<1x128x128xf32, #tpu.memory_space<vmem>> -> memref<128x128xf32, #tpu.memory_space<vmem>>
        %dma_start3A_189 = arith.constant 0 : i32
        %dma_start3A_190 = arith.constant 0 : i32
        %dma_start3A_191 = tpu.memref_slice %arg4[%dma_start3A_189, %dma_start3A_190] : memref<50000x128xf32, #tpu.memory_space<hbm>> -> memref<50000x128xf32, #tpu.memory_space<hbm>>
        tpu.enqueue_indirect_dma source(%dma_start3A_191 : memref<50000x128xf32, #tpu.memory_space<hbm>>) target(%dma_start3A_188 : memref<128x128xf32, #tpu.memory_space<vmem>>) offsets(%arg9 : memref<128xi32, #tpu.memory_space<vmem>>) semaphore(%arg20 : memref<!tpu.dma_semaphore, #tpu.memory_space<semaphore_mem>>)
      } else {
      }
    }
    %scan3A_74 = arith.constant 10 : i32
    %barrier3A_75 = arith.constant 0 : index
    tpu.barrier barrier_id(%barrier3A_75)
    %mul3A_76 = arith.constant 320 : i32
    %mul3A_77 = arith.muli %arg1, %mul3A_76 : i32
    %mul3A_78 = arith.constant 320 : i32
    %mul3A_79 = arith.muli %arg1, %mul3A_78 : i32
    "tpu.region"() ({
      %run_scoped3A = tpu.sem_alloc : memref<!tpu.dma_semaphore, #tpu.memory_space<semaphore_mem>>
      %dma_start3A_80 = arith.constant 0 : i32
      %dma_start3A_81 = tpu.memref_slice %arg5[%arg0, %mul3A_79, %dma_start3A_80] : memref<2x5120x128xf32, #tpu.memory_space<hbm>> -> memref<1x320x128xf32, #tpu.memory_space<hbm>>
      %dma_start3A_82 = tpu.memref_squeeze %dma_start3A_81 : memref<1x320x128xf32, #tpu.memory_space<hbm>> -> memref<320x128xf32, #tpu.memory_space<hbm>>
      %dma_start3A_83 = arith.constant 0 : i32
      %dma_start3A_84 = tpu.memref_slice %arg16[%mul3A_77, %dma_start3A_83] : memref<5120x128xf32, #tpu.memory_space<vmem_shared>> -> memref<320x128xf32, #tpu.memory_space<vmem_shared>>
      tpu.enqueue_dma source(%dma_start3A_84 : memref<320x128xf32, #tpu.memory_space<vmem_shared>>) target(%dma_start3A_82 : memref<320x128xf32, #tpu.memory_space<hbm>>) target_semaphore(%run_scoped3A : memref<!tpu.dma_semaphore, #tpu.memory_space<semaphore_mem>>)
      %dma_wait3A = arith.constant 0 : i32
      %dma_wait3A_85 = tpu.memref_slice %arg5[%arg0, %mul3A_79, %dma_wait3A] : memref<2x5120x128xf32, #tpu.memory_space<hbm>> -> memref<1x320x128xf32, #tpu.memory_space<hbm>>
      %dma_wait3A_86 = tpu.memref_squeeze %dma_wait3A_85 : memref<1x320x128xf32, #tpu.memory_space<hbm>> -> memref<320x128xf32, #tpu.memory_space<hbm>>
      %dma_wait3A_87 = arith.constant 0 : i32
      %dma_wait3A_88 = tpu.memref_slice %arg16[%mul3A_77, %dma_wait3A_87] : memref<5120x128xf32, #tpu.memory_space<vmem_shared>> -> memref<320x128xf32, #tpu.memory_space<vmem_shared>>
      tpu.wait_dma2 semaphore(%run_scoped3A : memref<!tpu.dma_semaphore, #tpu.memory_space<semaphore_mem>>) src(%dma_wait3A_88 : memref<320x128xf32, #tpu.memory_space<vmem_shared>>) dst(%dma_wait3A_86 : memref<320x128xf32, #tpu.memory_space<hbm>>)
      tpu.yield
    }) : () -> ()
    return
  }
}

module attributes {stable_mosaic.version = 14 : i64} {
  func.func @_head_body(%arg0: memref<2x5120x128xf32, #tpu.memory_space<vmem>>, %arg1: memref<5000x64xf32, #tpu.memory_space<vmem>>, %arg2: memref<1x64xf32, #tpu.memory_space<vmem>>, %arg3: memref<1x64xf32, #tpu.memory_space<vmem>>, %arg4: memref<1x64xf32, #tpu.memory_space<vmem>>, %arg5: memref<64x64xf32, #tpu.memory_space<vmem>>, %arg6: memref<1x64xf32, #tpu.memory_space<vmem>>, %arg7: memref<1x64xf32, #tpu.memory_space<vmem>>, %arg8: memref<1x64xf32, #tpu.memory_space<vmem>>, %arg9: memref<64x1xf32, #tpu.memory_space<vmem>>, %arg10: memref<1x1xf32, #tpu.memory_space<vmem>>, %arg11: memref<32x1xf32, #tpu.memory_space<vmem>>) attributes {dimension_semantics = [], scalar_prefetch = 0 : i64, scratch_operands = 0 : i64, tpu.core_type = #tpu.core_type<tc>} {
    %get3A = arith.constant 0 : index
    %get3A_0 = arith.constant 0 : index
    %get3A_1 = arith.constant 0 : index
    %get3A_2 = vector.load %arg0[%get3A, %get3A_0, %get3A_1] : memref<2x5120x128xf32, #tpu.memory_space<vmem>>, vector<1x5120x128xf32>
    %get3A_3 = vector.shape_cast %get3A_2 : vector<1x5120x128xf32> to vector<5120x128xf32>
    %get3A_4 = arith.constant 1 : index
    %get3A_5 = arith.constant 0 : index
    %get3A_6 = arith.constant 0 : index
    %get3A_7 = vector.load %arg0[%get3A_4, %get3A_5, %get3A_6] : memref<2x5120x128xf32, #tpu.memory_space<vmem>>, vector<1x5120x128xf32>
    %get3A_8 = vector.shape_cast %get3A_7 : vector<1x5120x128xf32> to vector<5120x128xf32>
    %add3A = arith.addf %get3A_3, %get3A_8 : vector<5120x128xf32>
    %slice3A = vector.extract_strided_slice %add3A {offsets = [0, 0], sizes = [5000, 32], strides = [1, 1]} : vector<5120x128xf32> to vector<5000x32xf32>
    %get3A_9 = arith.constant 0 : index
    %get3A_10 = arith.constant 0 : index
    %get3A_11 = vector.load %arg1[%get3A_9, %get3A_10] : memref<5000x64xf32, #tpu.memory_space<vmem>>, vector<5000x64xf32>
    %dot_general3A = arith.constant dense<0.000000e+00> : vector<32x64xf32>
    %dot_general3A_12 = tpu.matmul %slice3A, %get3A_11, %dot_general3A {dimension_numbers = #tpu.dot_dimension_numbers<[0], [0], [1], [1], [0, 1, 1, 1], [], []>, transpose_lhs_hint = false} : vector<5000x32xf32>, vector<5000x64xf32>, vector<32x64xf32> -> vector<32x64xf32>
    %get3A_13 = arith.constant 0 : index
    %get3A_14 = arith.constant 0 : index
    %get3A_15 = vector.load %arg2[%get3A_13, %get3A_14] : memref<1x64xf32, #tpu.memory_space<vmem>>, vector<1x64xf32>
    %add3A_16 = vector.broadcast %get3A_15 : vector<1x64xf32> to vector<32x64xf32>
    %add3A_17 = arith.addf %dot_general3A_12, %add3A_16 : vector<32x64xf32>
    %get3A_18 = arith.constant 0 : index
    %get3A_19 = arith.constant 0 : index
    %get3A_20 = vector.load %arg3[%get3A_18, %get3A_19] : memref<1x64xf32, #tpu.memory_space<vmem>>, vector<1x64xf32>
    %mul3A = arith.constant 0.999994993 : f32
    %mul3A_21 = vector.broadcast %mul3A : f32 to vector<1x64xf32>
    %mul3A_22 = arith.mulf %mul3A_21, %get3A_20 : vector<1x64xf32>
    %mul3A_23 = vector.broadcast %mul3A_22 : vector<1x64xf32> to vector<32x64xf32>
    %mul3A_24 = arith.mulf %add3A_17, %mul3A_23 : vector<32x64xf32>
    %get3A_25 = arith.constant 0 : index
    %get3A_26 = arith.constant 0 : index
    %get3A_27 = vector.load %arg4[%get3A_25, %get3A_26] : memref<1x64xf32, #tpu.memory_space<vmem>>, vector<1x64xf32>
    %add3A_28 = vector.broadcast %get3A_27 : vector<1x64xf32> to vector<32x64xf32>
    %add3A_29 = arith.addf %mul3A_24, %add3A_28 : vector<32x64xf32>
    %max3A = arith.constant 0.000000e+00 : f32
    %max3A_30 = vector.broadcast %max3A : f32 to vector<32x64xf32>
    %max3A_31 = arith.maximumf %add3A_29, %max3A_30 : vector<32x64xf32>
    %get3A_32 = arith.constant 0 : index
    %get3A_33 = arith.constant 0 : index
    %get3A_34 = vector.load %arg5[%get3A_32, %get3A_33] : memref<64x64xf32, #tpu.memory_space<vmem>>, vector<64x64xf32>
    %dot_general3A_35 = arith.constant dense<0.000000e+00> : vector<32x64xf32>
    %dot_general3A_36 = tpu.matmul %max3A_31, %get3A_34, %dot_general3A_35 {dimension_numbers = #tpu.dot_dimension_numbers<[1], [0], [0], [1], [0, 0, 1, 1], [], []>, transpose_lhs_hint = false} : vector<32x64xf32>, vector<64x64xf32>, vector<32x64xf32> -> vector<32x64xf32>
    %get3A_37 = arith.constant 0 : index
    %get3A_38 = arith.constant 0 : index
    %get3A_39 = vector.load %arg6[%get3A_37, %get3A_38] : memref<1x64xf32, #tpu.memory_space<vmem>>, vector<1x64xf32>
    %add3A_40 = vector.broadcast %get3A_39 : vector<1x64xf32> to vector<32x64xf32>
    %add3A_41 = arith.addf %dot_general3A_36, %add3A_40 : vector<32x64xf32>
    %get3A_42 = arith.constant 0 : index
    %get3A_43 = arith.constant 0 : index
    %get3A_44 = vector.load %arg7[%get3A_42, %get3A_43] : memref<1x64xf32, #tpu.memory_space<vmem>>, vector<1x64xf32>
    %mul3A_45 = arith.constant 0.999994993 : f32
    %mul3A_46 = vector.broadcast %mul3A_45 : f32 to vector<1x64xf32>
    %mul3A_47 = arith.mulf %mul3A_46, %get3A_44 : vector<1x64xf32>
    %mul3A_48 = vector.broadcast %mul3A_47 : vector<1x64xf32> to vector<32x64xf32>
    %mul3A_49 = arith.mulf %add3A_41, %mul3A_48 : vector<32x64xf32>
    %get3A_50 = arith.constant 0 : index
    %get3A_51 = arith.constant 0 : index
    %get3A_52 = vector.load %arg8[%get3A_50, %get3A_51] : memref<1x64xf32, #tpu.memory_space<vmem>>, vector<1x64xf32>
    %add3A_53 = vector.broadcast %get3A_52 : vector<1x64xf32> to vector<32x64xf32>
    %add3A_54 = arith.addf %mul3A_49, %add3A_53 : vector<32x64xf32>
    %max3A_55 = arith.constant 0.000000e+00 : f32
    %max3A_56 = vector.broadcast %max3A_55 : f32 to vector<32x64xf32>
    %max3A_57 = arith.maximumf %add3A_54, %max3A_56 : vector<32x64xf32>
    %get3A_58 = arith.constant 0 : index
    %get3A_59 = arith.constant 0 : index
    %get3A_60 = vector.load %arg9[%get3A_58, %get3A_59] : memref<64x1xf32, #tpu.memory_space<vmem>>, vector<64x1xf32>
    %dot_general3A_61 = arith.constant dense<0.000000e+00> : vector<32x1xf32>
    %dot_general3A_62 = tpu.matmul %max3A_57, %get3A_60, %dot_general3A_61 {dimension_numbers = #tpu.dot_dimension_numbers<[1], [0], [0], [1], [0, 0, 1, 1], [], []>, transpose_lhs_hint = false} : vector<32x64xf32>, vector<64x1xf32>, vector<32x1xf32> -> vector<32x1xf32>
    %get3A_63 = arith.constant 0 : index
    %get3A_64 = arith.constant 0 : index
    %get3A_65 = vector.load %arg10[%get3A_63, %get3A_64] : memref<1x1xf32, #tpu.memory_space<vmem>>, vector<1x1xf32>
    %add3A_66 = vector.broadcast %get3A_65 : vector<1x1xf32> to vector<32x1xf32>
    %add3A_67 = arith.addf %dot_general3A_62, %add3A_66 : vector<32x1xf32>
    %swap3A = arith.constant 0 : index
    %swap3A_68 = arith.constant 0 : index
    %swap3A_69 = vector.load %arg11[%swap3A, %swap3A_68] : memref<32x1xf32, #tpu.memory_space<vmem>>, vector<32x1xf32>
    tpu.vector_store %arg11[%swap3A, %swap3A_68], %add3A_67 {strides = array<i32>} : memref<32x1xf32, #tpu.memory_space<vmem>>, vector<32x1xf32>,
    return
  }
}

module attributes {stable_mosaic.version = 14 : i64} {
  func.func @_prep_body(%arg0: i32, %arg1: memref<32x2048xf32, #tpu.memory_space<vmem>>, %arg2: memref<2048x8xf32, #tpu.memory_space<vmem>>, %arg3: memref<2048x128xf32, #tpu.memory_space<vmem>>) attributes {dimension_semantics = [#tpu.dimension_semantics<arbitrary>], iteration_bounds = array<i64: 25>, scalar_prefetch = 0 : i64, scratch_operands = 0 : i64, tpu.core_type = #tpu.core_type<tc>, window_params = [{transform_indices = @transform_0, window_bounds = array<i64: 32, 2048>}, {transform_indices = @transform_1, window_bounds = array<i64: 2048, 8>}, {transform_indices = @transform_2, window_bounds = array<i64: 2048, 128>}]} {
    %get3A = arith.constant 0 : index
    %get3A_0 = arith.constant 0 : index
    %get3A_1 = vector.load %arg2[%get3A, %get3A_0] : memref<2048x8xf32, #tpu.memory_space<vmem>>, vector<2048x8xf32>
    %reduce_sum3A = arith.constant dense<0.000000e+00> : vector<2048xf32>
    %reduce_sum3A_2 = vector.multi_reduction <add>, %get3A_1, %reduce_sum3A [1] : vector<2048x8xf32> to vector<2048xf32>
    %mul3A = arith.constant 1.250000e-01 : f32
    %mul3A_3 = vector.broadcast %mul3A : f32 to vector<2048xf32>
    %mul3A_4 = arith.mulf %reduce_sum3A_2, %mul3A_3 : vector<2048xf32>
    %get3A_5 = arith.constant 0 : index
    %get3A_6 = arith.constant 0 : index
    %get3A_7 = vector.load %arg1[%get3A_5, %get3A_6] : memref<32x2048xf32, #tpu.memory_space<vmem>>, vector<32x2048xf32>
    %transpose3A = tpu.transpose %get3A_7, [1, 0] : vector<32x2048xf32> -> vector<2048x32xf32>
    %broadcast_in_dim3A = vector.shape_cast %mul3A_4 : vector<2048xf32> to vector<2048x1xf32>
    %mul3A_8 = vector.broadcast %broadcast_in_dim3A : vector<2048x1xf32> to vector<2048x32xf32>
    %mul3A_9 = arith.mulf %transpose3A, %mul3A_8 : vector<2048x32xf32>
    %broadcast_in_dim3A_10 = arith.constant 0.000000e+00 : f32
    %broadcast_in_dim3A_11 = vector.broadcast %broadcast_in_dim3A_10 : f32 to vector<2048x96xf32>
    %concatenate3A = tpu.concatenate %mul3A_9, %broadcast_in_dim3A_11 in 1 : vector<2048x32xf32>, vector<2048x96xf32> -> vector<2048x128xf32>
    %swap3A = arith.constant 0 : index
    %swap3A_12 = arith.constant 0 : index
    %swap3A_13 = vector.load %arg3[%swap3A, %swap3A_12] : memref<2048x128xf32, #tpu.memory_space<vmem>>, vector<2048x128xf32>
    tpu.vector_store %arg3[%swap3A, %swap3A_12], %concatenate3A {strides = array<i32>} : memref<2048x128xf32, #tpu.memory_space<vmem>>, vector<2048x128xf32>,
    return
  }
  func.func @transform_0(%arg0: i32) -> (i32, i32) {
    %c0_i32 = arith.constant 0 : i32
    %c0_i32_0 = arith.constant 0 : i32
    return %c0_i32, %arg0 : i32, i32
  }
  func.func @transform_1(%arg0: i32) -> (i32, i32) {
    %c0_i32 = arith.constant 0 : i32
    %c0_i32_0 = arith.constant 0 : i32
    return %arg0, %c0_i32 : i32, i32
  }
  func.func @transform_2(%arg0: i32) -> (i32, i32) {
    %c0_i32 = arith.constant 0 : i32
    %c0_i32_0 = arith.constant 0 : i32
    return %arg0, %c0_i32 : i32, i32
  }
}

</mosaic_0001>

<sc_bundles>
// kernel: kernel.5.cloned.1.call-start
scs
__scs_entry_jumppad:
0x0: {  	(pc) =	sbr.rel $0x88, $3  }
0x1: {  	(tag) =	ssettag $0x0;
	lr =	simm.s32 $0x1  }
0x2: {  	[smem:$0x3F93] =	sst lr;
	_ =	strace $0xD0000000  }
0x3: {  	_ = 	snop  }
0x4: {  	_ = 	snop  }
0x5: {  	_ = 	snop  }
0x6: {  	_ = 	snop  }
0x7: {  	_ = 	snop  }
__scs_overlays_trampoline_lowered:
0x8: {  	[smem:$0x3FA2] =	sst s0  }
0x9: {  	[smem:$0x3FA3] =	sst s1  }
0xa: {  	[smem:$0x3FA4] =	sst s2  }
0xb: {  	[smem:$0x3FA5] =	sst s3  }
0xc: {  	[smem:$0x3FA6] =	sst s4  }
0xd: {  	[smem:$0x3FA7] =	sst s5  }
0xe: {  	[smem:$0x3FA8] =	sst s6  }
0xf: {  	[smem:$0x3FA9] =	sst s7  }
0x10: {  	[smem:$0x3FAA] =	sst s8  }
0x11: {  	[smem:$0x3FAB] =	sst s9;
	s0 =	simm.s32 @!p0 $0x0  }
0x12: {  	s1 =	sld [smem:$0x3F91];
	s0 =	simm.s32 @p0 $0x1  }
0x13: {  	[smem:$0x3FAC] =	sst s0;
	s0 =	simm.s32 @!p1 $0x0  }
0x14: {  	s2 =	sld [smem:$0x3F90];
	s0 =	simm.s32 @p1 $0x1  }
0x15: {  	[smem:$0x3FAD] =	sst s0;
	s0 =	simm.s32 @!p2 $0x0  }
0x16: {  	s3 =	sld [smem:$0x3FDB];
	s0 =	simm.s32 @p2 $0x1  }
0x17: {  	s4 =	simm.s32 $0x1BF5;
	[smem:$0x3FAF] =	sst s0  }
0x18: {  	s0 =	sld [smem:$0x3F92];
	_ =	swait.ge [sflag:s4], $0x0  }
0x19: {  	s7 =	sld [smem:$0x3F93]  }
0x1a: {  	s8 =	sadd.s32 $0xFFFFE003, lr  }
0x1b: {  	s9 =	sadd.s32 $0xFFFFFEF7, lr;
	s5 =	simm.s32 $0xFFFFFFFF;
	p2 =	slt.u32 s8, $0xFFFFF086  }
0x1c: {  	p1 =	slt.u32 s9, $0xF7A;
	s5 =	simm.s32 @!p2 $0x0  }
0x1d: {  	s5 =	simm.s32 @p1 $0x1;
	p0 =	seq.s32 s7, s2  }
0x1e: {  	s7 =	smul.u32 @!p0 $0xF7A, s2;
	p2 =	seq.s32 @!p0 s5, $0x0  }
0x1f: {  	s9 =	smul.u32 $0xF7A, s1;
	s8 =	simm.s32 @!p0 $0x1BF5;
	p2 =	por !p2, p0  }
0x20: {  	[sflag:s8] =	ssyncset.s32 @!p0 $0xFFFFF086;
	s6 =	sadd.s32 @!p0 s3, s7;
	s7 =	simm.s32 @!p0 $0x108  }
0x21: {  	s3 =	sadd.s32 s3, s9;
	s6 =	sadd.s32 @!p0 $0x88, s6;
	s7 =	simm.s32 @p2 $0x1082  }
0x22: {  	[simem:s7], [sflag:s8] =	dma.local @!p0 [hbm:s6], $0xF7A  }
0x23: {  	s9 =	sor.u32 $0xD0000000, s2;
	s6 =	simm.s32 $0x108;
	_ =	swait.ge @!p0 [sflag:s8], $0x0  }
0x24: {  	s3 =	sadd.s32 $0x88, s3;
	s6 =	simm.s32 @!p1 $0x1082;
	[sflag:s4] =	ssyncset.s32 $0xFFFFF086  }
0x25: {  	[simem:s6], [sflag:s4] =	dma.local [hbm:s3], $0xF7A  }
0x26: {  	[smem:$0x3F93] =	sst s1;
	(tag) =	ssettag s2;
	_ =	strace s9  }
0x27: {  	s1 =	sld [smem:$0x3FA3]  }
0x28: {  	s2 =	sld [smem:$0x3FA4]  }
0x29: {  	s4 =	sld [smem:$0x3FA6]  }
0x2a: {  	p0 =	seq.s32 s5, $0x0;
	s5 =	sld [smem:$0x3FA7]  }
0x2b: {  	s6 =	sld [smem:$0x3FA8]  }
0x2c: {  	s7 =	sld [smem:$0x3FA9]  }
0x2d: {  	s3 =	simm.s32 $0x108;
	s8 =	sld [smem:$0x3FAA]  }
0x2e: {  	s3 =	simm.s32 @!p0 $0x1082;
	s9 =	sld [smem:$0x3FAB]  }
0x2f: {  	lr =	sadd.s32 s0, s3;
	s0 =	sld [smem:$0x3FA2]  }
0x30: {  	s3 =	sld [smem:$0x3FA5]  }
0x31: {  	[smem:$0x3FAE] =	sst s10  }
0x32: {  	s10 =	sld [smem:$0x3FAC];
	_ =	sdelay $0x3  }
0x33: {  	p0 =	seq.s32 s10, $0x1;
	s10 =	sld [smem:$0x3FAE];
	_ =	sdelay $0x3  }
0x34: {  	[smem:$0x3FAE] =	sst s10  }
0x35: {  	s10 =	sld [smem:$0x3FAD];
	_ =	sdelay $0x3  }
0x36: {  	p1 =	seq.s32 s10, $0x1;
	s10 =	sld [smem:$0x3FAE];
	_ =	sdelay $0x3  }
0x37: {  	[smem:$0x3FAE] =	sst s10  }
0x38: {  	s10 =	sld [smem:$0x3FAF]  }
0x39: {  	_ = 	snop;
	(pc) =	sbr.ind lr, $3  }
0x3a: {  	_ = 	snop  }
0x3b: {  	_ = 	snop  }
0x3c: {  	p2 =	seq.s32 s10, $0x1;
	s10 =	sld [smem:$0x3FAE]  }
0x3d: {  	_ =	shalt  }
0x3e: {  	_ =	shalt  }
0x3f: {  	_ =	shalt  }
0x40: {  	_ =	shalt  }
0x41: {  	_ =	shalt  }
0x42: {  	_ =	shalt  }
0x43: {  	_ =	shalt  }
0x44: {  	_ =	shalt  }
0x45: {  	_ =	shalt  }
0x46: {  	_ =	shalt  }
0x47: {  	_ =	shalt  }
0x48: {  	_ =	shalt  }
0x49: {  	_ =	shalt  }
0x4a: {  	_ =	shalt  }
0x4b: {  	_ =	shalt  }
0x4c: {  	_ =	shalt  }
0x4d: {  	_ =	shalt  }
0x4e: {  	_ =	shalt  }
0x4f: {  	_ =	shalt  }
0x50: {  	_ =	shalt  }
0x51: {  	_ =	shalt  }
0x52: {  	_ =	shalt  }
0x53: {  	_ =	shalt  }
0x54: {  	_ =	shalt  }
0x55: {  	_ =	shalt  }
0x56: {  	_ =	shalt  }
0x57: {  	_ =	shalt  }
0x58: {  	_ =	shalt  }
0x59: {  	_ =	shalt  }
0x5a: {  	_ =	shalt  }
0x5b: {  	_ =	shalt  }
0x5c: {  	_ =	shalt  }
0x5d: {  	_ =	shalt  }
0x5e: {  	_ =	shalt  }
0x5f: {  	_ =	shalt  }
0x60: {  	_ =	shalt  }
0x61: {  	_ =	shalt  }
0x62: {  	_ =	shalt  }
0x63: {  	_ =	shalt  }
0x64: {  	_ =	shalt  }
0x65: {  	_ =	shalt  }
0x66: {  	_ =	shalt  }
0x67: {  	_ =	shalt  }
0x68: {  	_ =	shalt  }
0x69: {  	_ =	shalt  }
0x6a: {  	_ =	shalt  }
0x6b: {  	_ =	shalt  }
0x6c: {  	_ =	shalt  }
0x6d: {  	_ =	shalt  }
0x6e: {  	_ =	shalt  }
0x6f: {  	_ =	shalt  }
0x70: {  	_ =	shalt  }
0x71: {  	_ =	shalt  }
0x72: {  	_ =	shalt  }
0x73: {  	_ =	shalt  }
0x74: {  	_ =	shalt  }
0x75: {  	_ =	shalt  }
0x76: {  	_ =	shalt  }
0x77: {  	_ =	shalt  }
0x78: {  	_ =	shalt  }
0x79: {  	_ =	shalt  }
0x7a: {  	_ =	shalt  }
0x7b: {  	_ =	shalt  }
0x7c: {  	_ =	shalt  }
0x7d: {  	_ =	shalt  }
0x7e: {  	_ =	shalt  }
0x7f: {  	_ =	shalt  }
0x80: {  	_ =	shalt  }
0x81: {  	_ =	shalt  }
0x82: {  	_ =	shalt  }
0x83: {  	_ =	shalt  }
0x84: {  	_ =	shalt  }
0x85: {  	_ =	shalt  }
0x86: {  	_ =	shalt  }
0x87: {  	_ =	shalt  }
.Lfunc_end0:
.L_simem_size_0:
called_computation_lowered:
.L_overlay_start_0:
0x88: {  	s2 =	sld [smem:$0x3FD9]  }
0x89: {  	s3 =	sld [smem:$0x3FFE];
	_ =	sdelay $0x1  }
0x8a: {  	s1 =	srdreg.scid  }
0x8b: {  	s0 =	sand.u32 $0x1, s1  }
0x8c: {  	s17 =	sshll.u32 s0, $0xA;
	s2 =	sadd.s32 s3, s2  }
0x8d: {  	s2 =	sadd.s32 s2, s17  }
0x8e: {  	[smem:$0x3FBA] =	sst s2  }
0x8f: {  	_ = 	snop  }
0x90: {  	s2 =	sld [smem:$0x3FC8]  }
0x91: {  	s18 =	sld [smem:$0x3FC7];
	(tm) =	ssettm $0x1  }
0x92: {  	s4 =	sld [smem:$0x3FFB];
	_ =	sdelay $0x3  }
0x93: {  	_ =	strace s4  }
0x94: {  	s4 =	sld [smem:$0x3FFC];
	_ =	sdelay $0x3  }
0x95: {  	_ =	strace s4  }
0x96: {  	s4 =	sld [smem:$0x3FFD];
	_ =	sdelay $0x3  }
0x97: {  	_ =	strace s4  }
0x98: {  	_ =	strace $0x8FFFFFFF  }
0x99: {  	s19 =	sld [smem:$0x3FDB];
	_ =	sdelay $0x1  }
0x9a: {  	s5 =	simm.s32 $_scs_section_size  }
0x9b: {  	s6 =	simm.s32 $_size__tile_overlayer_lowered;
	s7 =	simm.s32 $_tile_overlayer_lowered  }
0x9c: {  	s22 =	simm.s32 $0x1BFF;
	s21 =	sshll.u32 s7, $0x1;
	s4 =	sadd.s32 s5, s19  }
0x9d: {  	s8 =	simm.s32 $0x0;
	s20 =	sshll.u32 s6, $0x1;
	s6 =	sadd.s32 s21, s4  }
0x9e: {  	[timem:s8], [sflag:s22] =	dma.local [hbm:s6], s20  }
0x9f: {  	_ =	swait.ge [sflag:s22], s20  }
0xa0: {  	s5 =	ssub.s32 $0x0, s20;
	[sflag:s22] =	ssyncset.done $0x0  }
0xa1: {  	[sflag:s22] =	ssyncadd.s32 s5;
	_ =	sdelay $0x1  }
0xa2: {  	s23 =	simm.s32 $0x1B8B  }
0xa3: {  	_ =	swait.ge [sflag:s23], $0x1  }
0xa4: {  	[sflag:s23] =	ssyncset.done $0x0  }
0xa5: {  	s25 =	simm.s32 $0x1B8E;
	s24 =	sld [smem:$0x3FFE];
	[sflag:s23] =	ssyncadd.s32 $0xFFFFFFFF  }
0xa6: {  	s26 =	simm.s32 $execute0_lowered;
	[smem:$0x3FD2] =	sst s25  }
0xa7: {  	s6 =	sshll.u32 s26, $0x1;
	_ =	strace $0x80000046;
	[dreg:$0x1] =	wrdreg $0xFFFFFFFF  }
0xa8: {  	s28 =	simm.s32 $_size_execute0_lowered;
	s4 =	sadd.s32 s4, s6;
	[dreg:$0x0] =	wrdreg $0x0  }
0xa9: {  	s6 =	sshll.u32 s28, $0x1;
	[dreg:$0x2] =	wrdreg s4  }
0xaa: {  	[dreg:$0x3] =	wrdreg s6  }
0xab: {  	[dreg:$0x4] =	wrdreg $0xC0  }
0xac: {  	_ =	task [dreg:s8], $0x5FFFF  }
0xad: {  	[dreg:$0x1] =	wrdreg $0xFFFFFFFF  }
0xae: {  	[dreg:$0x0] =	wrdreg $0x60  }
0xaf: {  	[dreg:$0x2] =	wrdreg s2  }
0xb0: {  	[dreg:$0x3] =	wrdreg s18  }
0xb1: {  	[dreg:$0x4] =	wrdreg s24  }
0xb2: {  	[dreg:$0x5] =	wrdreg $0x12C000  }
0xb3: {  	[dreg:$0x6] =	wrdreg $0x9  }
0xb4: {  	_ =	task.clear_ibuf [dreg:s8], $0x7FFFF;
	_ =	strace $0x90000046  }
0xb5: {  	s29 =	simm.s32 $0x9;
	_ =	strace $0x80000048  }
0xb6: {  	_ =	swait.ge [sflag:s29], $0x1  }
0xb7: {  	[sflag:s29] =	ssyncadd.s32 $0xFFFFFFFF  }
0xb8: {  	_ =	strace $0x90000048  }
0xb9: {  	_ =	sfence  }
0xba: {  	s30 =	sld [smem:$0x0];
	_ =	sdelay $0x2  }
0xbb: {  	s31 =	sshll.u32 s1, $0xD;
	s1 =	sshrl.u32 s1, $0x2  }
0xbc: {  	s3 =	sand.u32 $0x4000, s31;
	s1 =	sadd.s32 s1, s30  }
0xbd: {  	s0 =	sor.u32 s3, s0;
	s1 =	sshll.u32 s1, $0x11  }
0xbe: {  	s0 =	sor.u32 s1, s0  }
0xbf: {  	s0 =	sadd.s32 $0x8F2B, s0  }
0xc0: {  	[sflag:s0] =	ssyncadd.remote.s32 $0x1  }
0xc1: {  	_ =	sfence.sel $0xFFFF  }
0xc2: {  	[dreg:$0x0] =	wrdreg $0xFFFFFFFF;
	(pc) =	sbr.abs _section_cstart, $3  }
0xc3: {  	[dreg:$0x1] =	wrdreg $0xFFFFFFFF  }
0xc4: {  	_ =	task.clear_ibuf [dreg:s8], $0x2FFFF;
	_ =	strace $0x9FFFFFFF  }
0xc5: {  	(tm) =	ssettm $0x7FFFFFFF  }
tec
execute0_lowered:
.L_overlay_start_1:
0x0: {  	(tag) =	ssettag $0x1  }
0x1: {  	s0 =	rddreg [dreg:$0x0]  }
0x2: {  	s7 =	rddreg [dreg:$0x1]  }
0x3: {  	s1 =	srdreg.scid;
	s5 =	rddreg [dreg:$0x2]  }
0x4: {  	s13 =	stileid.u32;
	s2 =	rddreg [dreg:$0x3];
	s3 =	simm.s32 $0x0  }
0x5: {  	s28 =	simm.s32 $0x280;
	s29 =	simm.s32 $0x4400;
	s30 =	simm.s32 $0x100  }
0x6: {  	s31 =	simm.s32 $0x300;
	s1 =	sand.u32 $0x1, s1;
	s6 =	smul.u32 $0xA000, s13  }
0x7: {  	[smem:$0x7FF] =	sst s3;
	s8 =	smul.u32 $0x28000, s13;
	s11 =	sshll.u32 s13, $0x1  }
0x8: {  	s26 =	sshll.u32 s13, $0x5;
	s4 =	smul.u32 $0xA0000, s1;
	_ =	strace $0x80000047  }
0x9: {  	s10 =	ssub.s32 $0x2, s1;
	s25 =	ssub.s32 $0x482, s11;
	s14 =	sshrl.u32 s8, $0x2  }
0xa: {  	s15 =	sshrl.u32 s10, $0x1;
	[dreg:$0x5] =	wrdreg s25;
	s4 =	sadd.s32 s6, s4  }
0xb: {  	s25 =	simm.s32 $0x80;
	s8 =	ssub.s32 s10, s15;
	s6 =	sshrl.u32 s4, $0x3  }
0xc: {  	s8 =	smax.u32 s8, $0x1;
	s9 =	sadd.s32 s6, s5;
	s6 =	sadd.s32 s14, s2  }
0xd: {  	s4 =	sadd.s32 $0xC5000, s5;
	[dreg:$0x12] =	wrdreg s8;
	s16 =	sadd.s32 $0x2800, s6  }
0xe: {  	s5 =	sor.u32 s1, s11;
	s12 =	sadd.s32 $0x5000, s6;
	[dreg:$0x6] =	wrdreg s16  }
0xf: {  	s1 =	sshll.u32 s1, $0x4;
	s18 =	sadd.s32 $0x7800, s6;
	[dreg:$0x7] =	wrdreg s12  }
0x10: {  	s17 =	sshll.u32 s5, $0x4;
	s9 =	sadd.s32 $0x1A00, s9;
	[dreg:$0x8] =	wrdreg s18  }
0x11: {  	s8 =	simm.s32 $0x2;
	s14 =	sadd.s32 s0, s17;
	[dreg:$0x11] =	wrdreg s9  }
0x12: {  	s19 =	sor.u32 $0x200, s17;
	s20 =	sadd.s32 s7, s17;
	[dreg:$0x9] =	wrdreg s14  }
0x13: {  	s22 =	sor.u32 $0x400, s17;
	[dreg:$0xa] =	wrdreg s20;
	s21 =	sadd.s32 s0, s19  }
0x14: {  	s10 =	sor.u32 $0x600, s17;
	s12 =	sadd.s32 s7, s19;
	[dreg:$0xb] =	wrdreg s21  }
0x15: {  	s9 =	simm.s32 $0x3;
	s23 =	sadd.s32 s0, s22;
	[dreg:$0xc] =	wrdreg s12  }
0x16: {  	s24 =	sadd.s32 s0, s10;
	s10 =	sadd.s32 s7, s10;
	[dreg:$0xd] =	wrdreg s23  }
0x17: {  	s0 =	sadd.s32 s26, s0;
	s12 =	sadd.s32 s7, s22;
	[dreg:$0xf] =	wrdreg s24  }
0x18: {  	[dreg:$0x10] =	wrdreg s10;
	s7 =	sadd.s32 s26, s7;
	s21 =	sadd.s32 s1, s0  }
0x19: {  	s22 =	simm.s32 $0x10400;
	s23 =	simm.s32 $0x5;
	s24 =	simm.s32 $0x200  }
0x1a: {  	s26 =	simm.s32 $0x400;
	s0 =	simm.s32 $0x180;
	[dreg:$0xe] =	wrdreg s12  }
0x1b: {  	v0 =	vimm.f32 $0.0e+00;
	s20 =	sadd.s32 s1, s7;
	s1 =	simm.s32 $0x8400;
	s7 =	simm.s32 $0x1  }
.LBB2_1:
0x1c: {  	s10 =	simm.s32 $0x0;
	s11 =	simm.s32 $0x200  }
.LBB2_2:
0x1d: {  	p0 =	sne.s32 s11, $0x9E00;
	[tilespmem:s10+$0x10470] =	vst v0  }
0x1e: {  	[tilespmem:s10+$0x10400] =	vst v0  }
0x1f: {  	[tilespmem:s10+$0x10410] =	vst v0  }
.Ltmp0:
0x20: {  	[tilespmem:s10+$0x10420] =	vst v0;
	(pc) =	sbr.rel @p0 .LBB2_2-.Ltmp0, $4  }
0x21: {  	[tilespmem:s10+$0x10430] =	vst v0  }
0x22: {  	[tilespmem:s10+$0x10440] =	vst v0  }
0x23: {  	[tilespmem:s10+$0x10450] =	vst v0  }
0x24: {  	[tilespmem:s10+$0x10460] =	vst v0;
	s10 =	sshra.s32 s11, $0x2;
	s11 =	sadd.s32 $0x200, s11  }
0x25: {  	[tilespmem:s10+$0x10470] =	vst v0  }
0x26: {  	[tilespmem:s10+$0x10400] =	vst v0  }
0x27: {  	[tilespmem:s10+$0x10410] =	vst v0  }
0x28: {  	[tilespmem:s10+$0x10420] =	vst v0  }
0x29: {  	[tilespmem:s10+$0x10430] =	vst v0  }
0x2a: {  	[tilespmem:s10+$0x10440] =	vst v0  }
0x2b: {  	[tilespmem:s10+$0x10450] =	vst v0  }
0x2c: {  	[tilespmem:s10+$0x10460] =	vst v0  }
0x2d: {  	[spmem:s6] =	stream.linear.scatter [tilespmem:s22], [sflag:$0x5], $0x2800, $0x38;
	[tilespmem:$0x1CC00] =	vst v63  }
0x2e: {  	_ =	swait.ge [sflag:s23], $0x2800  }
0x2f: {  	[sflag:s23] =	ssyncset.done $0x0  }
0x30: {  	s13 =	rddreg [dreg:$0x6];
	[sflag:s23] =	ssyncadd.s32 $0xFFFFD800  }
0x31: {  	[spmem:s13] =	stream.linear.scatter [tilespmem:s22], [sflag:$0x5], $0x2800, $0x38;
	[tilespmem:$0x1CC00] =	vst v63  }
0x32: {  	_ =	swait.ge [sflag:s23], $0x2800  }
0x33: {  	[sflag:s23] =	ssyncset.done $0x0  }
0x34: {  	s14 =	rddreg [dreg:$0x7];
	[sflag:s23] =	ssyncadd.s32 $0xFFFFD800  }
0x35: {  	[spmem:s14] =	stream.linear.scatter [tilespmem:s22], [sflag:$0x5], $0x2800, $0x38;
	[tilespmem:$0x1CC00] =	vst v63  }
0x36: {  	_ =	swait.ge [sflag:s23], $0x2800  }
0x37: {  	[sflag:s23] =	ssyncset.done $0x0  }
0x38: {  	s15 =	rddreg [dreg:$0x8];
	[sflag:s23] =	ssyncadd.s32 $0xFFFFD800  }
0x39: {  	[spmem:s15] =	stream.linear.scatter [tilespmem:s22], [sflag:$0x5], $0x2800, $0x38;
	[tilespmem:$0x1CC00] =	vst v63  }
0x3a: {  	_ =	swait.ge [sflag:s23], $0x2800  }
0x3b: {  	[sflag:s23] =	ssyncset.done $0x0  }
0x3c: {  	[sflag:s23] =	ssyncadd.s32 $0xFFFFD800  }
0x3d: {  	[bflag:$0x0] =	sbarrier.arrive $0xFFFF  }
0x3e: {  	s10 =	simm.s32 $0x0;
	s11 =	rddreg [dreg:$0x9]  }
0x3f: {  	[tilespmem:s10], [sflag:$0x5] =	stream.linear.gather [hbm4b:s11+s10], $0x80, $0x38;
	[tilespmem:$0x1CC00] =	vst v63  }
0x40: {  	_ =	swait.ge [sflag:s23], $0x80  }
0x41: {  	[sflag:s23] =	ssyncset.done $0x0  }
0x42: {  	s16 =	rddreg [dreg:$0xa];
	[sflag:s23] =	ssyncadd.s32 $0xFFFFFF80  }
0x43: {  	[tilespmem:s24], [sflag:$0x5] =	stream.linear.gather [hbm4b:s16+s10], $0x80, $0x38;
	[tilespmem:$0x1CC00] =	vst v63  }
0x44: {  	_ =	swait.ge [sflag:s23], $0x80  }
0x45: {  	[sflag:s23] =	ssyncset.done $0x0  }
0x46: {  	[sflag:s23] =	ssyncadd.s32 $0xFFFFFF80  }
0x47: {  	[tilespmem:s26], [sflag:$0x1] =	stream.indirect.gather [hbm4b:s4+s25], $0x80, s10, s25, $0xb8;
	[tilespmem:$0x1CC00] =	vst v63  }
0x48: {  	s17 =	rddreg [dreg:$0xb]  }
0x49: {  	[tilespmem:s25], [sflag:$0x5] =	stream.linear.gather [hbm4b:s17+s10], $0x80, $0x38;
	[tilespmem:$0x1CC00] =	vst v63  }
0x4a: {  	_ =	swait.ge [sflag:s23], $0x80  }
0x4b: {  	[sflag:s23] =	ssyncset.done $0x0  }
0x4c: {  	s18 =	rddreg [dreg:$0xc];
	[sflag:s23] =	ssyncadd.s32 $0xFFFFFF80  }
0x4d: {  	[tilespmem:s28], [sflag:$0x5] =	stream.linear.gather [hbm4b:s18+s10], $0x80, $0x38;
	[tilespmem:$0x1CC00] =	vst v63  }
0x4e: {  	_ =	swait.ge [sflag:s23], $0x80  }
0x4f: {  	[sflag:s23] =	ssyncset.done $0x0  }
0x50: {  	[sflag:s23] =	ssyncadd.s32 $0xFFFFFF80  }
0x51: {  	[tilespmem:s29], [sflag:$0x2] =	stream.indirect.gather [hbm4b:s4+s25], $0x80, s25, s25, $0xb8;
	[tilespmem:$0x1CC00] =	vst v63  }
0x52: {  	s19 =	rddreg [dreg:$0xd]  }
0x53: {  	[tilespmem:s30], [sflag:$0x5] =	stream.linear.gather [hbm4b:s19+s10], $0x80, $0x38;
	[tilespmem:$0x1CC00] =	vst v63  }
0x54: {  	_ =	swait.ge [sflag:s23], $0x80  }
0x55: {  	[sflag:s23] =	ssyncset.done $0x0  }
0x56: {  	s12 =	rddreg [dreg:$0xe];
	[sflag:s23] =	ssyncadd.s32 $0xFFFFFF80  }
0x57: {  	[tilespmem:s31], [sflag:$0x5] =	stream.linear.gather [hbm4b:s12+s10], $0x80, $0x38;
	[tilespmem:$0x1CC00] =	vst v63  }
0x58: {  	_ =	swait.ge [sflag:s23], $0x80  }
0x59: {  	[sflag:s23] =	ssyncset.done $0x0  }
0x5a: {  	[sflag:s23] =	ssyncadd.s32 $0xFFFFFF80  }
0x5b: {  	[tilespmem:s1], [sflag:$0x3] =	stream.indirect.gather [hbm4b:s4+s25], $0x80, s30, s25, $0xb8;
	[tilespmem:$0x1CC00] =	vst v63  }
0x5c: {  	s13 =	rddreg [dreg:$0xf]  }
0x5d: {  	[tilespmem:s0], [sflag:$0x5] =	stream.linear.gather [hbm4b:s13+s10], $0x80, $0x38;
	[tilespmem:$0x1CC00] =	vst v63  }
0x5e: {  	_ =	swait.ge [sflag:s23], $0x80  }
0x5f: {  	[sflag:s23] =	ssyncset.done $0x0  }
0x60: {  	s12 =	simm.s32 $0x380;
	s14 =	rddreg [dreg:$0x10];
	[sflag:s23] =	ssyncadd.s32 $0xFFFFFF80  }
0x61: {  	[tilespmem:s12], [sflag:$0x5] =	stream.linear.gather [hbm4b:s14+s10], $0x80, $0x38;
	[tilespmem:$0x1CC00] =	vst v63  }
0x62: {  	_ =	swait.ge [sflag:s23], $0x80  }
0x63: {  	[sflag:s23] =	ssyncset.done $0x0  }
0x64: {  	s15 =	simm.s32 $0xC400;
	[sflag:s23] =	ssyncadd.s32 $0xFFFFFF80  }
0x65: {  	[tilespmem:s15], [sflag:$0x4] =	stream.indirect.gather [hbm4b:s4+s25], $0x80, s0, s25, $0xb8;
	[tilespmem:$0x1CC00] =	vst v63  }
0x66: {  	_ =	swait.ge [sflag:s7], $0x4000  }
0x67: {  	s11 =	sadd.s32 $0x0, s5;
	[sflag:s7] =	ssyncset.done $0x0  }
0x68: {  	s16 =	sadd.s32 $0x80, s11;
	[sflag:s7] =	ssyncadd.s32 $0xFFFFC000  }
0x69: {  	[spmem:s2] =	stream.indirect.scatter.add.f32 [tilespmem:s26], [sflag:$0x5], $0x80, s24, s25, $0xb8;
	[tilespmem:$0x1CC00] =	vst v63  }
0x6a: {  	p0 =	sgt.u32 s16, $0x4E1;
	_ =	swait.ge [sflag:s23], $0x4000  }
0x6b: {  	s13 =	simm.s32 @!p0 $0x0;
	s12 =	sadd.s32 @!p0 $0x0, s21;
	[sflag:s23] =	ssyncset.done $0x0  }
0x6c: {  	s14 =	simm.s32 @!p0 $0x5;
	s12 =	sadd.s32 @!p0 $0x800, s12;
	[sflag:s23] =	ssyncadd.s32 $0xFFFFC000  }
0x6d: {  	[tilespmem:s13], [sflag:$0x5] =	stream.linear.gather @!p0 [hbm4b:s12+s13], $0x80, $0x38;
	[tilespmem:$0x1CC00] =	vst v63  }
0x6e: {  	_ =	swait.ge @!p0 [sflag:s14], $0x80  }
0x6f: {  	s12 =	sadd.s32 @!p0 $0x0, s20;
	[sflag:s14] =	ssyncset.done @!p0 $0x0  }
0x70: {  	s15 =	simm.s32 @!p0 $0x200;
	s12 =	sadd.s32 @!p0 $0x800, s12;
	[sflag:s14] =	ssyncadd.s32 @!p0 $0xFFFFFF80  }
0x71: {  	[tilespmem:s15], [sflag:$0x5] =	stream.linear.gather @!p0 [hbm4b:s12+s13], $0x80, $0x38;
	[tilespmem:$0x1CC00] =	vst v63  }
0x72: {  	_ =	swait.ge @!p0 [sflag:s14], $0x80  }
0x73: {  	[sflag:s14] =	ssyncset.done @!p0 $0x0  }
0x74: {  	s12 =	simm.s32 @!p0 $0x80;
	s15 =	simm.s32 @!p0 $0x400;
	[sflag:s14] =	ssyncadd.s32 @!p0 $0xFFFFFF80  }
0x75: {  	[tilespmem:s15], [sflag:$0x1] =	stream.indirect.gather @!p0 [hbm4b:s4+s12], $0x80, s13, s12, $0xb8;
	[tilespmem:$0x1CC00] =	vst v63  }
0x76: {  	_ =	swait.ge [sflag:s8], $0x4000  }
0x77: {  	s17 =	sadd.s32 $0xA0, s11;
	[sflag:s8] =	ssyncset.done $0x0  }
0x78: {  	p0 =	sgt.u32 s17, $0x4E1;
	[sflag:s8] =	ssyncadd.s32 $0xFFFFC000  }
0x79: {  	[spmem:s2] =	stream.indirect.scatter.add.f32 [tilespmem:s29], [sflag:$0x5], $0x80, s28, s25, $0xb8;
	[tilespmem:$0x1CC00] =	vst v63  }
0x7a: {  	s12 =	sadd.s32 @!p0 $0x0, s21;
	_ =	swait.ge [sflag:s23], $0x4000  }
0x7b: {  	s13 =	simm.s32 @!p0 $0x80;
	s14 =	simm.s32 @!p0 $0x0;
	[sflag:s23] =	ssyncset.done $0x0  }
0x7c: {  	s15 =	simm.s32 @!p0 $0x5;
	s12 =	sadd.s32 @!p0 $0xA00, s12;
	[sflag:s23] =	ssyncadd.s32 $0xFFFFC000  }
0x7d: {  	[tilespmem:s13], [sflag:$0x5] =	stream.linear.gather @!p0 [hbm4b:s12+s14], $0x80, $0x38;
	[tilespmem:$0x1CC00] =	vst v63  }
0x7e: {  	_ =	swait.ge @!p0 [sflag:s15], $0x80  }
0x7f: {  	s12 =	sadd.s32 @!p0 $0x0, s20;
	[sflag:s15] =	ssyncset.done @!p0 $0x0  }
0x80: {  	s16 =	simm.s32 @!p0 $0x280;
	s12 =	sadd.s32 @!p0 $0xA00, s12;
	[sflag:s15] =	ssyncadd.s32 @!p0 $0xFFFFFF80  }
0x81: {  	[tilespmem:s16], [sflag:$0x5] =	stream.linear.gather @!p0 [hbm4b:s12+s14], $0x80, $0x38;
	[tilespmem:$0x1CC00] =	vst v63  }
0x82: {  	_ =	swait.ge @!p0 [sflag:s15], $0x80  }
0x83: {  	[sflag:s15] =	ssyncset.done @!p0 $0x0  }
0x84: {  	s12 =	simm.s32 @!p0 $0x4400;
	[sflag:s15] =	ssyncadd.s32 @!p0 $0xFFFFFF80  }
0x85: {  	[tilespmem:s12], [sflag:$0x2] =	stream.indirect.gather @!p0 [hbm4b:s4+s13], $0x80, s13, s13, $0xb8;
	[tilespmem:$0x1CC00] =	vst v63  }
0x86: {  	_ =	swait.ge [sflag:s9], $0x4000  }
0x87: {  	s18 =	sadd.s32 $0xC0, s11;
	[sflag:s9] =	ssyncset.done $0x0  }
0x88: {  	p0 =	sgt.u32 s18, $0x4E1;
	[sflag:s9] =	ssyncadd.s32 $0xFFFFC000  }
0x89: {  	[spmem:s2] =	stream.indirect.scatter.add.f32 [tilespmem:s1], [sflag:$0x5], $0x80, s31, s25, $0xb8;
	[tilespmem:$0x1CC00] =	vst v63  }
0x8a: {  	s12 =	sadd.s32 @!p0 $0x0, s21;
	_ =	swait.ge [sflag:s23], $0x4000  }
0x8b: {  	s13 =	simm.s32 @!p0 $0x100;
	s14 =	simm.s32 @!p0 $0x0;
	[sflag:s23] =	ssyncset.done $0x0  }
0x8c: {  	s15 =	simm.s32 @!p0 $0x5;
	s12 =	sadd.s32 @!p0 $0xC00, s12;
	[sflag:s23] =	ssyncadd.s32 $0xFFFFC000  }
0x8d: {  	[tilespmem:s13], [sflag:$0x5] =	stream.linear.gather @!p0 [hbm4b:s12+s14], $0x80, $0x38;
	[tilespmem:$0x1CC00] =	vst v63  }
0x8e: {  	_ =	swait.ge @!p0 [sflag:s15], $0x80  }
0x8f: {  	s12 =	sadd.s32 @!p0 $0x0, s20;
	[sflag:s15] =	ssyncset.done @!p0 $0x0  }
0x90: {  	s16 =	simm.s32 @!p0 $0x300;
	s12 =	sadd.s32 @!p0 $0xC00, s12;
	[sflag:s15] =	ssyncadd.s32 @!p0 $0xFFFFFF80  }
0x91: {  	[tilespmem:s16], [sflag:$0x5] =	stream.linear.gather @!p0 [hbm4b:s12+s14], $0x80, $0x38;
	[tilespmem:$0x1CC00] =	vst v63  }
0x92: {  	_ =	swait.ge @!p0 [sflag:s15], $0x80  }
0x93: {  	s14 =	simm.s32 @!p0 $0x80;
	[sflag:s15] =	ssyncset.done @!p0 $0x0  }
0x94: {  	s19 =	rddreg [dreg:$0x5];
	[sflag:s15] =	ssyncadd.s32 @!p0 $0xFFFFFF80;
	s15 =	simm.s32 @!p0 $0x8400  }
0x95: {  	[tilespmem:s15], [sflag:$0x3] =	stream.indirect.gather @!p0 [hbm4b:s4+s14], $0x80, s13, s14, $0xb8;
	[tilespmem:$0x1CC00] =	vst v63  }
0x96: {  	p0 =	sle.u32 s19, $0x0  }
0x97: {  	s11 =	sadd.s32 $0xE0, s11;
	s12 =	simm.s32 @!p0 $0x4  }
0x98: {  	p1 =	sgt.u32 s11, $0x4E1;
	_ =	swait.ge @!p0 [sflag:s12], $0x4000  }
0x99: {  	s13 =	simm.s32 @!p0 $0xC400;
	s14 =	simm.s32 @!p0 $0x80;
	[sflag:s12] =	ssyncset.done @!p0 $0x0  }
0x9a: {  	s15 =	simm.s32 @!p0 $0x380;
	[sflag:s12] =	ssyncadd.s32 @!p0 $0xFFFFC000;
	s12 =	simm.s32 @!p0 $0x5  }
0x9b: {  	[spmem:s2] =	stream.indirect.scatter.add.f32 @!p0 [tilespmem:s13], [sflag:$0x5], $0x80, s15, s14, $0xb8;
	[tilespmem:$0x1CC00] =	vst v63  }
0x9c: {  	s11 =	sadd.s32 @!p1 $0x0, s21;
	_ =	swait.ge @!p0 [sflag:s12], $0x4000  }
0x9d: {  	s11 =	sadd.s32 @!p1 $0xE00, s11;
	s13 =	simm.s32 @!p1 $0x180;
	[sflag:s12] =	ssyncset.done @!p0 $0x0  }
0x9e: {  	s15 =	simm.s32 @!p1 $0x0;
	s14 =	simm.s32 @!p1 $0x5;
	[sflag:s12] =	ssyncadd.s32 @!p0 $0xFFFFC000  }
0x9f: {  	[tilespmem:s13], [sflag:$0x5] =	stream.linear.gather @!p1 [hbm4b:s11+s15], $0x80, $0x38;
	[tilespmem:$0x1CC00] =	vst v63  }
0xa0: {  	_ =	swait.ge @!p1 [sflag:s14], $0x80  }
0xa1: {  	s11 =	sadd.s32 @!p1 $0x0, s20;
	[sflag:s14] =	ssyncset.done @!p1 $0x0  }
0xa2: {  	s12 =	simm.s32 @!p1 $0x380;
	s11 =	sadd.s32 @!p1 $0xE00, s11;
	[sflag:s14] =	ssyncadd.s32 @!p1 $0xFFFFFF80  }
0xa3: {  	[tilespmem:s12], [sflag:$0x5] =	stream.linear.gather @!p1 [hbm4b:s11+s15], $0x80, $0x38;
	[tilespmem:$0x1CC00] =	vst v63  }
0xa4: {  	s16 =	simm.s32 @!p1 $0xC400;
	_ =	swait.ge @!p1 [sflag:s14], $0x80  }
0xa5: {  	s11 =	simm.s32 $0x800;
	s15 =	simm.s32 @!p1 $0x80;
	[sflag:s14] =	ssyncset.done @!p1 $0x0  }
.LBB2_4:
0xa6: {  	[sflag:s14] =	ssyncadd.s32 @!p1 $0xFFFFFF80  }
0xa7: {  	[tilespmem:s16], [sflag:$0x4] =	stream.indirect.gather @!p1 [hbm4b:s4+s15], $0x80, s13, s15, $0xb8;
	[tilespmem:$0x1CC00] =	vst v63  }
0xa8: {  	s10 =	sadd.s32 $0x80, s10;
	_ =	swait.ge [sflag:s7], $0x4000  }
0xa9: {  	s19 =	sadd.s32 s10, s5;
	[sflag:s7] =	ssyncset.done $0x0  }
0xaa: {  	s18 =	sadd.s32 $0x80, s19;
	[sflag:s7] =	ssyncadd.s32 $0xFFFFC000  }
0xab: {  	[spmem:s2] =	stream.indirect.scatter.add.f32 [tilespmem:s26], [sflag:$0x5], $0x80, s24, s25, $0xb8;
	[tilespmem:$0x1CC00] =	vst v63  }
0xac: {  	s12 =	smov.u32 s11;
	p1 =	sgt.u32 s18, $0x4E1;
	_ =	swait.ge [sflag:s23], $0x4000  }
0xad: {  	s16 =	sadd.s32 @!p1 s12, s21;
	s17 =	simm.s32 @!p1 $0x0;
	[sflag:s23] =	ssyncset.done $0x0  }
0xae: {  	s18 =	simm.s32 @!p1 $0x5;
	s16 =	sadd.s32 @!p1 $0x800, s16;
	[sflag:s23] =	ssyncadd.s32 $0xFFFFC000  }
0xaf: {  	[tilespmem:s17], [sflag:$0x5] =	stream.linear.gather @!p1 [hbm4b:s16+s17], $0x80, $0x38;
	[tilespmem:$0x1CC00] =	vst v63  }
0xb0: {  	s15 =	sadd.s32 $0xA0, s19;
	s14 =	sadd.s32 $0xC0, s19;
	_ =	swait.ge @!p1 [sflag:s18], $0x80  }
0xb1: {  	s13 =	sadd.s32 $0xE0, s19;
	s16 =	sadd.s32 @!p1 s12, s20;
	[sflag:s18] =	ssyncset.done @!p1 $0x0  }
0xb2: {  	s19 =	simm.s32 @!p1 $0x200;
	s16 =	sadd.s32 @!p1 $0x800, s16;
	[sflag:s18] =	ssyncadd.s32 @!p1 $0xFFFFFF80  }
0xb3: {  	[tilespmem:s19], [sflag:$0x5] =	stream.linear.gather @!p1 [hbm4b:s16+s17], $0x80, $0x38;
	[tilespmem:$0x1CC00] =	vst v63  }
0xb4: {  	_ =	swait.ge @!p1 [sflag:s18], $0x80  }
0xb5: {  	[sflag:s18] =	ssyncset.done @!p1 $0x0  }
0xb6: {  	s16 =	simm.s32 @!p1 $0x80;
	s19 =	simm.s32 @!p1 $0x400;
	[sflag:s18] =	ssyncadd.s32 @!p1 $0xFFFFFF80  }
0xb7: {  	[tilespmem:s19], [sflag:$0x1] =	stream.indirect.gather @!p1 [hbm4b:s4+s16], $0x80, s17, s16, $0xb8;
	[tilespmem:$0x1CC00] =	vst v63  }
0xb8: {  	_ =	swait.ge [sflag:s8], $0x4000  }
0xb9: {  	[sflag:s8] =	ssyncset.done $0x0  }
0xba: {  	p1 =	sgt.u32 s15, $0x4E1;
	[sflag:s8] =	ssyncadd.s32 $0xFFFFC000  }
0xbb: {  	[spmem:s2] =	stream.indirect.scatter.add.f32 [tilespmem:s29], [sflag:$0x5], $0x80, s28, s25, $0xb8;
	[tilespmem:$0x1CC00] =	vst v63  }
0xbc: {  	s15 =	sadd.s32 @!p1 s12, s21;
	_ =	swait.ge [sflag:s23], $0x4000  }
0xbd: {  	s16 =	simm.s32 @!p1 $0x80;
	s17 =	simm.s32 @!p1 $0x0;
	[sflag:s23] =	ssyncset.done $0x0  }
0xbe: {  	s18 =	simm.s32 @!p1 $0x5;
	s15 =	sadd.s32 @!p1 $0xA00, s15;
	[sflag:s23] =	ssyncadd.s32 $0xFFFFC000  }
0xbf: {  	[tilespmem:s16], [sflag:$0x5] =	stream.linear.gather @!p1 [hbm4b:s15+s17], $0x80, $0x38;
	[tilespmem:$0x1CC00] =	vst v63  }
0xc0: {  	_ =	swait.ge @!p1 [sflag:s18], $0x80  }
0xc1: {  	s19 =	sadd.s32 @!p1 s12, s20;
	[sflag:s18] =	ssyncset.done @!p1 $0x0  }
0xc2: {  	s15 =	sadd.s32 @!p1 $0xA00, s19;
	s19 =	simm.s32 @!p1 $0x280;
	[sflag:s18] =	ssyncadd.s32 @!p1 $0xFFFFFF80  }
0xc3: {  	[tilespmem:s19], [sflag:$0x5] =	stream.linear.gather @!p1 [hbm4b:s15+s17], $0x80, $0x38;
	[tilespmem:$0x1CC00] =	vst v63  }
0xc4: {  	_ =	swait.ge @!p1 [sflag:s18], $0x80  }
0xc5: {  	[sflag:s18] =	ssyncset.done @!p1 $0x0  }
0xc6: {  	s15 =	simm.s32 @!p1 $0x4400;
	[sflag:s18] =	ssyncadd.s32 @!p1 $0xFFFFFF80  }
0xc7: {  	[tilespmem:s15], [sflag:$0x2] =	stream.indirect.gather @!p1 [hbm4b:s4+s16], $0x80, s16, s16, $0xb8;
	[tilespmem:$0x1CC00] =	vst v63  }
0xc8: {  	_ =	swait.ge [sflag:s9], $0x4000  }
0xc9: {  	[sflag:s9] =	ssyncset.done $0x0  }
0xca: {  	p1 =	sgt.u32 s14, $0x4E1;
	[sflag:s9] =	ssyncadd.s32 $0xFFFFC000  }
0xcb: {  	[spmem:s2] =	stream.indirect.scatter.add.f32 [tilespmem:s1], [sflag:$0x5], $0x80, s31, s25, $0xb8;
	[tilespmem:$0x1CC00] =	vst v63  }
0xcc: {  	s14 =	sadd.s32 @!p1 s12, s21;
	_ =	swait.ge [sflag:s23], $0x4000  }
0xcd: {  	s15 =	simm.s32 @!p1 $0x100;
	s16 =	simm.s32 @!p1 $0x0;
	[sflag:s23] =	ssyncset.done $0x0  }
0xce: {  	s17 =	simm.s32 @!p1 $0x5;
	s14 =	sadd.s32 @!p1 $0xC00, s14;
	[sflag:s23] =	ssyncadd.s32 $0xFFFFC000  }
0xcf: {  	[tilespmem:s15], [sflag:$0x5] =	stream.linear.gather @!p1 [hbm4b:s14+s16], $0x80, $0x38;
	[tilespmem:$0x1CC00] =	vst v63  }
0xd0: {  	_ =	swait.ge @!p1 [sflag:s17], $0x80  }
0xd1: {  	s18 =	sadd.s32 @!p1 s12, s20;
	[sflag:s17] =	ssyncset.done @!p1 $0x0  }
0xd2: {  	s14 =	sadd.s32 @!p1 $0xC00, s18;
	s18 =	simm.s32 @!p1 $0x300;
	[sflag:s17] =	ssyncadd.s32 @!p1 $0xFFFFFF80  }
0xd3: {  	[tilespmem:s18], [sflag:$0x5] =	stream.linear.gather @!p1 [hbm4b:s14+s16], $0x80, $0x38;
	[tilespmem:$0x1CC00] =	vst v63  }
0xd4: {  	_ =	swait.ge @!p1 [sflag:s17], $0x80  }
0xd5: {  	s16 =	simm.s32 @!p1 $0x80;
	[sflag:s17] =	ssyncset.done @!p1 $0x0;
	s19 =	rddreg [dreg:$0x5]  }
0xd6: {  	[sflag:s17] =	ssyncadd.s32 @!p1 $0xFFFFFF80;
	s17 =	simm.s32 @!p1 $0x8400;
	p2 =	sge.u32 s10, s19  }
0xd7: {  	[tilespmem:s17], [sflag:$0x3] =	stream.indirect.gather @!p1 [hbm4b:s4+s16], $0x80, s15, s16, $0xb8;
	[tilespmem:$0x1CC00] =	vst v63  }
0xd8: {  	s14 =	simm.s32 @!p2 $0x4  }
0xd9: {  	s15 =	simm.s32 @!p2 $0xC400;
	_ =	swait.ge @!p2 [sflag:s14], $0x4000  }
0xda: {  	s16 =	simm.s32 @!p2 $0x80;
	s17 =	simm.s32 @!p2 $0x380;
	[sflag:s14] =	ssyncset.done @!p2 $0x0  }
0xdb: {  	p1 =	sgt.u32 s13, $0x4E1;
	[sflag:s14] =	ssyncadd.s32 @!p2 $0xFFFFC000;
	s14 =	simm.s32 @!p2 $0x5  }
0xdc: {  	[spmem:s2] =	stream.indirect.scatter.add.f32 @!p2 [tilespmem:s15], [sflag:$0x5], $0x80, s17, s16, $0xb8;
	[tilespmem:$0x1CC00] =	vst v63  }
0xdd: {  	s11 =	sadd.s32 $0x800, s11;
	s13 =	simm.s32 @!p1 $0x180;
	_ =	swait.ge @!p2 [sflag:s14], $0x4000  }
0xde: {  	s15 =	sadd.s32 @!p1 s12, s21;
	s16 =	simm.s32 @!p1 $0x0;
	[sflag:s14] =	ssyncset.done @!p2 $0x0  }
0xdf: {  	s15 =	sadd.s32 @!p1 $0xE00, s15;
	[sflag:s14] =	ssyncadd.s32 @!p2 $0xFFFFC000;
	s14 =	simm.s32 @!p1 $0x5  }
0xe0: {  	[tilespmem:s13], [sflag:$0x5] =	stream.linear.gather @!p1 [hbm4b:s15+s16], $0x80, $0x38;
	[tilespmem:$0x1CC00] =	vst v63  }
0xe1: {  	p0 =	sne.s32 s11, $0x5000;
	_ =	swait.ge @!p1 [sflag:s14], $0x80  }
.Ltmp1:
0xe2: {  	s12 =	sadd.s32 @!p1 s12, s20;
	[sflag:s14] =	ssyncset.done @!p1 $0x0;
	(pc) =	sbr.rel @p0 .LBB2_4-.Ltmp1, $4  }
0xe3: {  	s12 =	sadd.s32 @!p1 $0xE00, s12;
	s15 =	simm.s32 @!p1 $0x380;
	[sflag:s14] =	ssyncadd.s32 @!p1 $0xFFFFFF80  }
0xe4: {  	[tilespmem:s15], [sflag:$0x5] =	stream.linear.gather @!p1 [hbm4b:s12+s16], $0x80, $0x38;
	[tilespmem:$0x1CC00] =	vst v63  }
0xe5: {  	_ =	swait.ge @!p1 [sflag:s14], $0x80  }
0xe6: {  	s15 =	simm.s32 @!p1 $0x80;
	s16 =	simm.s32 @!p1 $0xC400;
	[sflag:s14] =	ssyncset.done @!p1 $0x0  }
0xe7: {  	[sflag:s14] =	ssyncadd.s32 @!p1 $0xFFFFFF80;
	s10 =	stileid.u32  }
0xe8: {  	[tilespmem:s16], [sflag:$0x4] =	stream.indirect.gather @!p1 [hbm4b:s4+s15], $0x80, s13, s15, $0xb8;
	[tilespmem:$0x1CC00] =	vst v63  }
0xe9: {  	s10 =	sshll.u32 s10, $0x6;
	[bflag:$0x0] =	sbarrier.arrive $0xFFFF  }
0xea: {  	s11 =	sshrl.u32 s6, $0x3;
	s10 =	sor.u32 $0x1C05, s10;
	s12 =	rddreg [dreg:$0x11]  }
0xeb: {  	[hbm:s12], [sflag:s10] =	dma.local [spmem:s11], $0x1400  }
0xec: {  	_ =	swait.ge [sflag:s23], $0x1400  }
0xed: {  	s3 =	sadd.s32 $0x1, s3;
	s19 =	rddreg [dreg:$0x12]  }
0xee: {  	p0 =	sne.s32 s3, s19  }
.Ltmp2:
0xef: {  	_ = 	snop;
	(pc) =	sbr.rel @p0 .LBB2_1-.Ltmp2, $3  }
0xf0: {  	_ =	sdelay $0x1  }
0xf1: {  	[sflag:s23] =	ssyncset.done $0x0  }
0xf2: {  	[sflag:s23] =	ssyncadd.s32 $0xFFFFEC00  }
0xf3: {  	_ =	sfence.sel $0x180000  }
0xf4: {  	[bflag:$0x0] =	sbarrier.arrive $0xFFFF  }
0xf5: {  	_ =	strace $0x90000047  }
0xf6: {  	s0 =	stileid.u32;
	[bflag:$0x2] =	sbarrier.arrive $0xFFFF  }
0xf7: {  	p0 =	sne.s32 s0, $0x0;
	s0 =	rddreg [dreg:$0x4]  }
0xf8: {  	s0 =	sadd.s32 @!p0 $0x100000, s0  }
0xf9: {  	[sflag:s0] =	ssyncadd.tile.s32 @!p0 $0x1;
	_ =	shalt  }
.Lfunc_end2:
_tile_overlayer_lowered:
.L_overlay_start_2:
0xfa: {  	(tag) =	ssettag $0x2  }
0xfb: {  	s0 =	rddreg [dreg:$0x0];
	s2 =	stileid.u32  }
0xfc: {  	s1 =	rddreg [dreg:$0x1];
	p0 =	sne.s32 s2, $0x0  }
0xfd: {  	s3 =	rddreg [dreg:$0x2];
	[bflag:$0x3] =	sbarrier.arrive $0xFFFF;
	s2 =	simm.s32 @!p0 $0x1C05  }
0xfe: {  	[timem:s3], [sflag:s2] =	dma.local @!p0 [hbm:s0], s1  }
0xff: {  	s0 =	simm.s32 @!p0 $0x5  }
0x100: {  	_ =	swait.ge @!p0 [sflag:s0], s1  }
0x101: {  	s1 =	ssub.s32 @!p0 $0x0, s1;
	[sflag:s0] =	ssyncset.done @!p0 $0x0  }
0x102: {  	[sflag:s0] =	ssyncadd.s32 @!p0 s1  }
0x103: {  	[bflag:$0x3] =	sbarrier.arrive $0xFFFF  }
0x104: {  	_ =	shalt  }

</sc_bundles>
